<compile_context>
chip_gen: v7x
topology: tpu7x:2x2x1
jax: 0.10.2.dev20260603
libtpu: 0.0.44.dev20260713+nightly
codegen_flags: <defaults>
</compile_context>

<pallas_src>
import functools

import jax
import jax.numpy as jnp
from jax import lax
from jax.experimental import pallas as pl
from jax.experimental.pallas import tpu as pltpu
from jax.experimental.pallas import tpu_sc as plsc

N = 10000
E = 320000
F_IN = 128
H = 128
C = 40
CP = 48

NC, NS = 2, 16
NW = NC * NS
RPT = N // NS

B1 = 80
ITERS1 = 125
EPW1 = ITERS1 * B1

B2 = 80
ITERS2 = 125
EPW2 = ITERS2 * B2


def _sc_mesh():
    return plsc.VectorSubcoreMesh(core_axis_name="c", subcore_axis_name="s",
                                  num_cores=NC, num_subcores=NS)


_SC_PARAMS = pltpu.CompilerParams(use_tc_tiling_on_sc=False,
                                  needs_layout_passes=False)


@functools.cache
def _seg_sum_l1():
    @functools.partial(
        pl.kernel,
        mesh=_sc_mesh(),
        out_type=[
            jax.ShapeDtypeStruct((NC, N, H), jnp.float32),
            jax.ShapeDtypeStruct((NW, N), jnp.float32),
        ],
        scratch_types=[
            pltpu.VMEM((ITERS1, B1), jnp.int32),
            pltpu.VMEM((ITERS1, B1), jnp.int32),
            pltpu.VMEM((B1, H), jnp.float32),
            pltpu.VMEM((B1, H), jnp.float32),
            pltpu.VMEM((N,), jnp.float32),
            pltpu.VMEM_SHARED((N, H), jnp.float32),
            pltpu.SemaphoreType.DMA,
            pltpu.SemaphoreType.DMA,
            pltpu.SemaphoreType.DMA,
            pltpu.SemaphoreType.DMA,
        ],
        compiler_params=_SC_PARAMS,
    )
    def body_fn(x_hbm, src_hbm, dst_hbm, z_rows_hbm, z_hist_hbm,
                part_hbm, cntp_hbm,
                src2, dst2, rows0, rows1, hist, acc, g0, g1, s0, s1):
        c = lax.axis_index("c")
        s = lax.axis_index("s")
        wid = c * NS + s
        ones16 = jnp.ones((16,), jnp.float32)
        pltpu.sync_copy(src_hbm.at[pl.ds(wid * ITERS1, ITERS1)], src2)
        pltpu.sync_copy(dst_hbm.at[pl.ds(wid * ITERS1, ITERS1)], dst2)
        pltpu.sync_copy(z_rows_hbm, acc.at[pl.ds(s * RPT, RPT)])
        pltpu.sync_copy(z_hist_hbm, hist)
        plsc.subcore_barrier()

        def count(ii):
            for k in range(B1 // 16):
                idx = dst2[ii, pl.ds(k * 16, 16)]
                plsc.addupdate_scatter(hist, [idx], ones16)

        def gather(cc, r, g):
            pltpu.async_copy(x_hbm.at[src2.at[cc]], r, g)

        def gwait(cc, r, g):
            pltpu.make_async_copy(x_hbm.at[src2.at[cc]], r, g).wait()

        def scat(cc, r, sm):
            pltpu.async_copy(r, acc.at[dst2.at[cc]], sm, add=True)

        def swait(cc, r, sm):
            pltpu.make_async_copy(r, acc.at[dst2.at[cc]], sm).wait()

        gather(0, rows0, g0)

        def body(j, carry):
            i0 = 2 * j
            i1 = i0 + 1
            gather(i1, rows1, g1)
            gwait(i0, rows0, g0)
            pltpu.sync_copy(rows0, acc.at[dst2.at[i0]], add=True)
            count(i0)
            gather(i0 + 2, rows0, g0)
            gwait(i1, rows1, g1)
            pltpu.sync_copy(rows1, acc.at[dst2.at[i1]], add=True)
            count(i1)
            return carry

        lax.fori_loop(0, ITERS1 // 2, body, 0)
        last = ITERS1 - 1
        gwait(last, rows0, g0)
        pltpu.sync_copy(rows0, acc.at[dst2.at[last]], add=True)
        count(last)
        plsc.subcore_barrier()
        pltpu.sync_copy(acc.at[pl.ds(s * RPT, RPT)],
                        part_hbm.at[c, pl.ds(s * RPT, RPT)])
        pltpu.sync_copy(hist, cntp_hbm.at[wid])

    return body_fn


@functools.cache
def _seg_sum_l2():
    @functools.partial(
        pl.kernel,
        mesh=_sc_mesh(),
        out_type=[jax.ShapeDtypeStruct((NC, N, CP), jnp.float32)],
        scratch_types=[
            pltpu.VMEM((ITERS2, B2), jnp.int32),
            pltpu.VMEM((ITERS2, B2), jnp.int32),
            pltpu.VMEM((B2, CP), jnp.float32),
            pltpu.VMEM((B2, CP), jnp.float32),
            pltpu.VMEM((B2, CP), jnp.float32),
            pltpu.VMEM((B2, CP), jnp.float32),
            pltpu.VMEM_SHARED((N, CP), jnp.float32),
            pltpu.SemaphoreType.DMA,
            pltpu.SemaphoreType.DMA,
            pltpu.SemaphoreType.DMA,
            pltpu.SemaphoreType.DMA,
            pltpu.SemaphoreType.DMA,
            pltpu.SemaphoreType.DMA,
            pltpu.SemaphoreType.DMA,
            pltpu.SemaphoreType.DMA,
        ],
        compiler_params=_SC_PARAMS,
    )
    def body_fn(hl_hbm, src_hbm, dst_hbm, z_rows_hbm,
                part_hbm,
                src2, dst2, r0, r1, r2, r3, acc,
                g0, g1, g2, g3, s0, s1, s2, s3):
        c = lax.axis_index("c")
        s = lax.axis_index("s")
        wid = c * NS + s
        rows = [r0, r1, r2, r3]
        gs = [g0, g1, g2, g3]
        ss = [s0, s1, s2, s3]
        pltpu.sync_copy(src_hbm.at[pl.ds(wid * ITERS2, ITERS2)], src2)
        pltpu.sync_copy(dst_hbm.at[pl.ds(wid * ITERS2, ITERS2)], dst2)
        pltpu.sync_copy(z_rows_hbm, acc.at[pl.ds(s * RPT, RPT)])
        plsc.subcore_barrier()

        def gather(cc, k):
            pltpu.async_copy(hl_hbm.at[src2.at[cc]], rows[k], gs[k])

        def gwait(cc, k):
            pltpu.make_async_copy(hl_hbm.at[src2.at[cc]], rows[k],
                                  gs[k]).wait()

        def scat(cc, k):
            pltpu.async_copy(rows[k], acc.at[dst2.at[cc]], ss[k], add=True)

        def swait(cc, k):
            pltpu.make_async_copy(rows[k], acc.at[dst2.at[cc]],
                                  ss[k]).wait()

        gather(0, 0)
        gather(1, 1)
        gwait(0, 0); scat(0, 0); gather(2, 2)
        gwait(1, 1); scat(1, 1); gather(3, 3)

        def body(j, carry):
            base = 4 * j + 2
            for u in range(4):
                cc = base + u
                k = (2 + u) % 4
                gwait(cc, k)
                scat(cc, k)
                swait(cc - 2, u)
                gather(cc + 2, u)
            return carry

        lax.fori_loop(0, (ITERS2 - 5) // 4, body, 0)
        gwait(122, 2); scat(122, 2); swait(120, 0); gather(124, 0)
        gwait(123, 3); scat(123, 3)
        gwait(124, 0); scat(124, 0)
        swait(121, 1)
        swait(122, 2)
        swait(123, 3)
        swait(124, 0)
        plsc.subcore_barrier()
        pltpu.sync_copy(acc.at[pl.ds(s * RPT, RPT)],
                        part_hbm.at[c, pl.ds(s * RPT, RPT)])

    return body_fn


BN = 1280

_DOT_T = (((1,), (1,)), ((), ()))


def _stage_b_body(p_ref, c_ref, x_ref, wl_ref, b_ref, wr_ref, w2_ref,
                  h_ref, hl_ref):
    tot = jnp.sum(c_ref[...], axis=0)
    den = jnp.maximum(tot, 1.0)[:, None]
    agg = (p_ref[0] + p_ref[1]) / den
    hb = lax.dot_general(agg, wl_ref[...], _DOT_T,
                         preferred_element_type=jnp.float32)
    hb += lax.dot_general(x_ref[...], wr_ref[...], _DOT_T,
                          preferred_element_type=jnp.float32)
    hb = jnp.maximum(hb + b_ref[...], 0.0)
    h_ref[...] = hb
    hl_ref[...] = lax.dot_general(hb, w2_ref[...], _DOT_T,
                                  preferred_element_type=jnp.float32)


_stage_b = pl.pallas_call(
    _stage_b_body,
    grid=(pl.cdiv(N, BN),),
    in_specs=[
        pl.BlockSpec((NC, BN, H), lambda i: (0, i, 0)),
        pl.BlockSpec((NW, BN), lambda i: (0, i)),
        pl.BlockSpec((BN, F_IN), lambda i: (i, 0)),
        pl.BlockSpec((H, F_IN), lambda i: (0, 0)),
        pl.BlockSpec((1, H), lambda i: (0, 0)),
        pl.BlockSpec((H, F_IN), lambda i: (0, 0)),
        pl.BlockSpec((CP, H), lambda i: (0, 0)),
    ],
    out_specs=[
        pl.BlockSpec((BN, H), lambda i: (i, 0)),
        pl.BlockSpec((BN, CP), lambda i: (i, 0)),
    ],
    out_shape=[
        jax.ShapeDtypeStruct((N, H), jnp.float32),
        jax.ShapeDtypeStruct((N, CP), jnp.float32),
    ],
)


def _stage_c_body(p_ref, c_ref, h_ref, b_ref, w_ref, o_ref):
    tot = jnp.sum(c_ref[...], axis=0)
    den = jnp.maximum(tot, 1.0)[:, None]
    agg = (p_ref[0] + p_ref[1])[:, :C] / den
    o = agg + b_ref[...] + lax.dot_general(h_ref[...], w_ref[...], _DOT_T,
                                           preferred_element_type=jnp.float32)
    m = jnp.max(o, axis=1, keepdims=True)
    sh = o - m
    lse = jnp.log(jnp.sum(jnp.exp(sh), axis=1, keepdims=True))
    o_ref[...] = sh - lse


_stage_c = pl.pallas_call(
    _stage_c_body,
    grid=(pl.cdiv(N, BN),),
    in_specs=[
        pl.BlockSpec((NC, BN, CP), lambda i: (0, i, 0)),
        pl.BlockSpec((NW, BN), lambda i: (0, i)),
        pl.BlockSpec((BN, H), lambda i: (i, 0)),
        pl.BlockSpec((1, C), lambda i: (0, 0)),
        pl.BlockSpec((C, H), lambda i: (0, 0)),
    ],
    out_specs=pl.BlockSpec((BN, C), lambda i: (i, 0)),
    out_shape=jax.ShapeDtypeStruct((N, C), jnp.float32),
)


def kernel(x, edge_index, W1l, b1l, W1r, W2l, b2l, W2r):
    x = x.astype(jnp.float32)
    e_src1 = edge_index[0].astype(jnp.int32).reshape(NW * ITERS1, B1)
    e_dst1 = edge_index[1].astype(jnp.int32).reshape(NW * ITERS1, B1)
    e_src2 = edge_index[0].astype(jnp.int32).reshape(NW * ITERS2, B2)
    e_dst2 = edge_index[1].astype(jnp.int32).reshape(NW * ITERS2, B2)

    z_rows1 = jnp.zeros((RPT, H), jnp.float32)
    z_hist = jnp.zeros((N,), jnp.float32)
    part1, cntp = _seg_sum_l1()(x, e_src1, e_dst1, z_rows1, z_hist)

    W2l_pad = jnp.zeros((CP, H), jnp.float32).at[:C].set(W2l)
    h, hl = _stage_b(part1, cntp, x, W1l, b1l.reshape(1, H), W1r, W2l_pad)

    z_rows2 = jnp.zeros((RPT, CP), jnp.float32)
    (part2,) = _seg_sum_l2()(hl, e_src2, e_dst2, z_rows2)

    return _stage_c(part2, cntp, h, b2l.reshape(1, C), W2r)

# --- scband reference (transcript-rebuilt; emitter-appended) ---
"""Pipeline reference for scband-net-74423193305618 (READ-ONLY COPY).

The authoritative reference and input builder live on the scoring server;
editing this copy changes nothing except your own understanding.
"""

import jax, jax.numpy as jnp
import numpy as np

N = 10000
E = 320000
F_IN = 128
H = 128
C = 40


def setup_inputs(seed: int = 0) -> dict:
    key = jax.random.key(seed)
    ks = jax.random.split(key, 9)
    x = jax.random.normal(ks[0], (N, F_IN), dtype=jnp.float32)
    edge_index = jax.random.randint(ks[1], (2, E), 0, N, dtype=jnp.int32)
    s = 0.05
    W1l = jax.random.normal(ks[2], (H, F_IN), dtype=jnp.float32) * s
    b1l = jnp.zeros((H,), dtype=jnp.float32)
    W1r = jax.random.normal(ks[3], (H, F_IN), dtype=jnp.float32) * s
    W2l = jax.random.normal(ks[4], (C, H), dtype=jnp.float32) * s
    b2l = jnp.zeros((C,), dtype=jnp.float32)
    W2r = jax.random.normal(ks[5], (C, H), dtype=jnp.float32) * s
    return {"x": x, "edge_index": edge_index, "W1l": W1l, "b1l": b1l, "W1r": W1r, "W2l": W2l, "b2l": b2l, "W2r": W2r}


def _sage_conv(h, edge_index, Wl, bl, Wr):
    # PyG SAGEConv (mean aggregation): out = lin_l(mean_neighbors) + lin_r(x)
    src = edge_index[0]
    dst = edge_index[1]
    msg = jnp.take(h, src, axis=0)
    summed = jax.ops.segment_sum(msg, dst, num_segments=N)
    cnt = jax.ops.segment_sum(jnp.ones((E,), dtype=h.dtype), dst, num_segments=N)
    mean = summed / jnp.maximum(cnt, 1.0)[:, None]
    return mean @ Wl.T + bl + h @ Wr.T


def reference(x, edge_index, W1l, b1l, W1r, W2l, b2l, W2r):
    # dropout is identity in eval mode
    h = jax.nn.relu(_sage_conv(x, edge_index, W1l, b1l, W1r))
    out = _sage_conv(h, edge_index, W2l, b2l, W2r)
    return jax.nn.log_softmax(out, axis=1)

if __name__ == "__main__":
    import jax
    _d = setup_inputs()
    print(jax.jit(kernel)(*tuple(_d.values())))

</pallas_src>

<mosaic_0001>
#map = affine_map<(d0, d1) -> (0, 0)>
#map1 = affine_map<(d0, d1) -> (0, 0, 0)>
module attributes {stable_mosaic.version = 14 : i64} {
  func.func @body_fn(%arg0: i32, %arg1: i32, %arg2: memref<10000x48xf32, #tpu.memory_space<hbm>>, %arg3: memref<4000x80xi32, #tpu.memory_space<hbm>>, %arg4: memref<4000x80xi32, #tpu.memory_space<hbm>>, %arg5: memref<625x48xf32, #tpu.memory_space<hbm>>, %arg6: memref<2x10000x48xf32, #tpu.memory_space<hbm>>, %arg7: memref<125x80xi32, #tpu.memory_space<vmem>>, %arg8: memref<125x80xi32, #tpu.memory_space<vmem>>, %arg9: memref<80x48xf32, #tpu.memory_space<vmem>>, %arg10: memref<80x48xf32, #tpu.memory_space<vmem>>, %arg11: memref<80x48xf32, #tpu.memory_space<vmem>>, %arg12: memref<80x48xf32, #tpu.memory_space<vmem>>, %arg13: memref<10000x48xf32, #tpu.memory_space<vmem_shared>>, %arg14: memref<!tpu.dma_semaphore, #tpu.memory_space<semaphore_mem>>, %arg15: memref<!tpu.dma_semaphore, #tpu.memory_space<semaphore_mem>>, %arg16: memref<!tpu.dma_semaphore, #tpu.memory_space<semaphore_mem>>, %arg17: memref<!tpu.dma_semaphore, #tpu.memory_space<semaphore_mem>>, %arg18: memref<!tpu.dma_semaphore, #tpu.memory_space<semaphore_mem>>, %arg19: memref<!tpu.dma_semaphore, #tpu.memory_space<semaphore_mem>>, %arg20: memref<!tpu.dma_semaphore, #tpu.memory_space<semaphore_mem>>, %arg21: memref<!tpu.dma_semaphore, #tpu.memory_space<semaphore_mem>>) attributes {dimension_semantics = [#tpu.dimension_semantics<core_parallel>, #tpu.dimension_semantics<subcore_parallel>], iteration_bounds = array<i64: 2, 16>, scalar_prefetch = 0 : i64, scratch_operands = 15 : i64, tpu.core_type = #tpu.core_type<sc_vector_subcore>, window_params = [{transform_indices = #map}, {transform_indices = #map}, {transform_indices = #map}, {transform_indices = #map}, {transform_indices = #map1}]} {
    %mul3A = arith.constant 16 : i32
    %mul3A_0 = arith.muli %arg0, %mul3A : i32
    %add3A = arith.addi %mul3A_0, %arg1 : i32
    %mul3A_1 = arith.constant 125 : i32
    %mul3A_2 = arith.muli %add3A, %mul3A_1 : i32
    "tpu.region"() ({
      %run_scoped3A = tpu.sem_alloc : memref<!tpu.dma_semaphore, #tpu.memory_space<semaphore_mem>>
      %dma_start3A_155 = arith.constant 0 : i32
      %dma_start3A_156 = tpu.memref_slice %arg3[%mul3A_2, %dma_start3A_155] : memref<4000x80xi32, #tpu.memory_space<hbm>> -> memref<125x80xi32, #tpu.memory_space<hbm>>
      %dma_start3A_157 = arith.constant 0 : i32
      %dma_start3A_158 = tpu.memref_slice %arg3[%mul3A_2, %dma_start3A_157] : memref<4000x80xi32, #tpu.memory_space<hbm>> -> memref<125x80xi32, #tpu.memory_space<hbm>>
      tpu.enqueue_dma source(%dma_start3A_158 : memref<125x80xi32, #tpu.memory_space<hbm>>) target(%arg7 : memref<125x80xi32, #tpu.memory_space<vmem>>) target_semaphore(%run_scoped3A : memref<!tpu.dma_semaphore, #tpu.memory_space<semaphore_mem>>)
      %dma_wait3A_159 = arith.constant 0 : i32
      %dma_wait3A_160 = tpu.memref_slice %arg3[%mul3A_2, %dma_wait3A_159] : memref<4000x80xi32, #tpu.memory_space<hbm>> -> memref<125x80xi32, #tpu.memory_space<hbm>>
      %dma_wait3A_161 = arith.constant 0 : i32
      %dma_wait3A_162 = tpu.memref_slice %arg3[%mul3A_2, %dma_wait3A_161] : memref<4000x80xi32, #tpu.memory_space<hbm>> -> memref<125x80xi32, #tpu.memory_space<hbm>>
      tpu.wait_dma2 semaphore(%run_scoped3A : memref<!tpu.dma_semaphore, #tpu.memory_space<semaphore_mem>>) src(%dma_wait3A_162 : memref<125x80xi32, #tpu.memory_space<hbm>>) dst(%arg7 : memref<125x80xi32, #tpu.memory_space<vmem>>)
      tpu.yield
    }) : () -> ()
    %mul3A_3 = arith.constant 125 : i32
    %mul3A_4 = arith.muli %add3A, %mul3A_3 : i32
    "tpu.region"() ({
      %run_scoped3A = tpu.sem_alloc : memref<!tpu.dma_semaphore, #tpu.memory_space<semaphore_mem>>
      %dma_start3A_155 = arith.constant 0 : i32
      %dma_start3A_156 = tpu.memref_slice %arg4[%mul3A_4, %dma_start3A_155] : memref<4000x80xi32, #tpu.memory_space<hbm>> -> memref<125x80xi32, #tpu.memory_space<hbm>>
      %dma_start3A_157 = arith.constant 0 : i32
      %dma_start3A_158 = tpu.memref_slice %arg4[%mul3A_4, %dma_start3A_157] : memref<4000x80xi32, #tpu.memory_space<hbm>> -> memref<125x80xi32, #tpu.memory_space<hbm>>
      tpu.enqueue_dma source(%dma_start3A_158 : memref<125x80xi32, #tpu.memory_space<hbm>>) target(%arg8 : memref<125x80xi32, #tpu.memory_space<vmem>>) target_semaphore(%run_scoped3A : memref<!tpu.dma_semaphore, #tpu.memory_space<semaphore_mem>>)
      %dma_wait3A_159 = arith.constant 0 : i32
      %dma_wait3A_160 = tpu.memref_slice %arg4[%mul3A_4, %dma_wait3A_159] : memref<4000x80xi32, #tpu.memory_space<hbm>> -> memref<125x80xi32, #tpu.memory_space<hbm>>
      %dma_wait3A_161 = arith.constant 0 : i32
      %dma_wait3A_162 = tpu.memref_slice %arg4[%mul3A_4, %dma_wait3A_161] : memref<4000x80xi32, #tpu.memory_space<hbm>> -> memref<125x80xi32, #tpu.memory_space<hbm>>
      tpu.wait_dma2 semaphore(%run_scoped3A : memref<!tpu.dma_semaphore, #tpu.memory_space<semaphore_mem>>) src(%dma_wait3A_162 : memref<125x80xi32, #tpu.memory_space<hbm>>) dst(%arg8 : memref<125x80xi32, #tpu.memory_space<vmem>>)
      tpu.yield
    }) : () -> ()
    %mul3A_5 = arith.constant 625 : i32
    %mul3A_6 = arith.muli %arg1, %mul3A_5 : i32
    "tpu.region"() ({
      %run_scoped3A = tpu.sem_alloc : memref<!tpu.dma_semaphore, #tpu.memory_space<semaphore_mem>>
      %dma_start3A_155 = arith.constant 0 : i32
      %dma_start3A_156 = tpu.memref_slice %arg13[%mul3A_6, %dma_start3A_155] : memref<10000x48xf32, #tpu.memory_space<vmem_shared>> -> memref<625x48xf32, #tpu.memory_space<vmem_shared>>
      tpu.enqueue_dma source(%arg5 : memref<625x48xf32, #tpu.memory_space<hbm>>) target(%dma_start3A_156 : memref<625x48xf32, #tpu.memory_space<vmem_shared>>) target_semaphore(%run_scoped3A : memref<!tpu.dma_semaphore, #tpu.memory_space<semaphore_mem>>)
      %dma_wait3A_157 = arith.constant 0 : i32
      %dma_wait3A_158 = tpu.memref_slice %arg13[%mul3A_6, %dma_wait3A_157] : memref<10000x48xf32, #tpu.memory_space<vmem_shared>> -> memref<625x48xf32, #tpu.memory_space<vmem_shared>>
      tpu.wait_dma2 semaphore(%run_scoped3A : memref<!tpu.dma_semaphore, #tpu.memory_space<semaphore_mem>>) src(%arg5 : memref<625x48xf32, #tpu.memory_space<hbm>>) dst(%dma_wait3A_158 : memref<625x48xf32, #tpu.memory_space<vmem_shared>>)
      tpu.yield
    }) : () -> ()
    %barrier3A = arith.constant 0 : index
    tpu.barrier barrier_id(%barrier3A)
    %dma_start3A = arith.constant 0 : i32
    %dma_start3A_7 = arith.constant 0 : i32
    %dma_start3A_8 = tpu.memref_slice %arg7[%dma_start3A, %dma_start3A_7] : memref<125x80xi32, #tpu.memory_space<vmem>> -> memref<1x80xi32, #tpu.memory_space<vmem>>
    %dma_start3A_9 = tpu.memref_squeeze %dma_start3A_8 : memref<1x80xi32, #tpu.memory_space<vmem>> -> memref<80xi32, #tpu.memory_space<vmem>>
    %dma_start3A_10 = arith.constant 0 : i32
    %dma_start3A_11 = arith.constant 0 : i32
    %dma_start3A_12 = tpu.memref_slice %arg2[%dma_start3A_10, %dma_start3A_11] : memref<10000x48xf32, #tpu.memory_space<hbm>> -> memref<10000x48xf32, #tpu.memory_space<hbm>>
    tpu.enqueue_indirect_dma source(%dma_start3A_12 : memref<10000x48xf32, #tpu.memory_space<hbm>>) target(%arg9 : memref<80x48xf32, #tpu.memory_space<vmem>>) offsets(%dma_start3A_9 : memref<80xi32, #tpu.memory_space<vmem>>) semaphore(%arg14 : memref<!tpu.dma_semaphore, #tpu.memory_space<semaphore_mem>>)
    %dma_start3A_13 = arith.constant 1 : i32
    %dma_start3A_14 = arith.constant 0 : i32
    %dma_start3A_15 = tpu.memref_slice %arg7[%dma_start3A_13, %dma_start3A_14] : memref<125x80xi32, #tpu.memory_space<vmem>> -> memref<1x80xi32, #tpu.memory_space<vmem>>
    %dma_start3A_16 = tpu.memref_squeeze %dma_start3A_15 : memref<1x80xi32, #tpu.memory_space<vmem>> -> memref<80xi32, #tpu.memory_space<vmem>>
    %dma_start3A_17 = arith.constant 0 : i32
    %dma_start3A_18 = arith.constant 0 : i32
    %dma_start3A_19 = tpu.memref_slice %arg2[%dma_start3A_17, %dma_start3A_18] : memref<10000x48xf32, #tpu.memory_space<hbm>> -> memref<10000x48xf32, #tpu.memory_space<hbm>>
    tpu.enqueue_indirect_dma source(%dma_start3A_19 : memref<10000x48xf32, #tpu.memory_space<hbm>>) target(%arg10 : memref<80x48xf32, #tpu.memory_space<vmem>>) offsets(%dma_start3A_16 : memref<80xi32, #tpu.memory_space<vmem>>) semaphore(%arg15 : memref<!tpu.dma_semaphore, #tpu.memory_space<semaphore_mem>>)
    %dma_wait3A = arith.constant 0 : i32
    %dma_wait3A_20 = arith.constant 0 : i32
    %dma_wait3A_21 = tpu.memref_slice %arg7[%dma_wait3A, %dma_wait3A_20] : memref<125x80xi32, #tpu.memory_space<vmem>> -> memref<1x80xi32, #tpu.memory_space<vmem>>
    %dma_wait3A_22 = tpu.memref_squeeze %dma_wait3A_21 : memref<1x80xi32, #tpu.memory_space<vmem>> -> memref<80xi32, #tpu.memory_space<vmem>>
    %dma_wait3A_23 = arith.constant 0 : i32
    %dma_wait3A_24 = arith.constant 0 : i32
    %dma_wait3A_25 = tpu.memref_slice %arg2[%dma_wait3A_23, %dma_wait3A_24] : memref<10000x48xf32, #tpu.memory_space<hbm>> -> memref<10000x48xf32, #tpu.memory_space<hbm>>
    tpu.wait_indirect_dma semaphore(%arg14 : memref<!tpu.dma_semaphore, #tpu.memory_space<semaphore_mem>>) src(%dma_wait3A_25 : memref<10000x48xf32, #tpu.memory_space<hbm>>) dst(%arg9 : memref<80x48xf32, #tpu.memory_space<vmem>>)
    %dma_start3A_26 = arith.constant 0 : i32
    %dma_start3A_27 = arith.constant 0 : i32
    %dma_start3A_28 = tpu.memref_slice %arg8[%dma_start3A_26, %dma_start3A_27] : memref<125x80xi32, #tpu.memory_space<vmem>> -> memref<1x80xi32, #tpu.memory_space<vmem>>
    %dma_start3A_29 = tpu.memref_squeeze %dma_start3A_28 : memref<1x80xi32, #tpu.memory_space<vmem>> -> memref<80xi32, #tpu.memory_space<vmem>>
    %dma_start3A_30 = arith.constant 0 : i32
    %dma_start3A_31 = arith.constant 0 : i32
    %dma_start3A_32 = tpu.memref_slice %arg13[%dma_start3A_30, %dma_start3A_31] : memref<10000x48xf32, #tpu.memory_space<vmem_shared>> -> memref<10000x48xf32, #tpu.memory_space<vmem_shared>>
    tpu.enqueue_indirect_dma source(%arg9 : memref<80x48xf32, #tpu.memory_space<vmem>>) target(%dma_start3A_32 : memref<10000x48xf32, #tpu.memory_space<vmem_shared>>) offsets(%dma_start3A_29 : memref<80xi32, #tpu.memory_space<vmem>>) semaphore(%arg18 : memref<!tpu.dma_semaphore, #tpu.memory_space<semaphore_mem>>) {add = true}
    %dma_start3A_33 = arith.constant 2 : i32
    %dma_start3A_34 = arith.constant 0 : i32
    %dma_start3A_35 = tpu.memref_slice %arg7[%dma_start3A_33, %dma_start3A_34] : memref<125x80xi32, #tpu.memory_space<vmem>> -> memref<1x80xi32, #tpu.memory_space<vmem>>
    %dma_start3A_36 = tpu.memref_squeeze %dma_start3A_35 : memref<1x80xi32, #tpu.memory_space<vmem>> -> memref<80xi32, #tpu.memory_space<vmem>>
    %dma_start3A_37 = arith.constant 0 : i32
    %dma_start3A_38 = arith.constant 0 : i32
    %dma_start3A_39 = tpu.memref_slice %arg2[%dma_start3A_37, %dma_start3A_38] : memref<10000x48xf32, #tpu.memory_space<hbm>> -> memref<10000x48xf32, #tpu.memory_space<hbm>>
    tpu.enqueue_indirect_dma source(%dma_start3A_39 : memref<10000x48xf32, #tpu.memory_space<hbm>>) target(%arg11 : memref<80x48xf32, #tpu.memory_space<vmem>>) offsets(%dma_start3A_36 : memref<80xi32, #tpu.memory_space<vmem>>) semaphore(%arg16 : memref<!tpu.dma_semaphore, #tpu.memory_space<semaphore_mem>>)
    %dma_wait3A_40 = arith.constant 1 : i32
    %dma_wait3A_41 = arith.constant 0 : i32
    %dma_wait3A_42 = tpu.memref_slice %arg7[%dma_wait3A_40, %dma_wait3A_41] : memref<125x80xi32, #tpu.memory_space<vmem>> -> memref<1x80xi32, #tpu.memory_space<vmem>>
    %dma_wait3A_43 = tpu.memref_squeeze %dma_wait3A_42 : memref<1x80xi32, #tpu.memory_space<vmem>> -> memref<80xi32, #tpu.memory_space<vmem>>
    %dma_wait3A_44 = arith.constant 0 : i32
    %dma_wait3A_45 = arith.constant 0 : i32
    %dma_wait3A_46 = tpu.memref_slice %arg2[%dma_wait3A_44, %dma_wait3A_45] : memref<10000x48xf32, #tpu.memory_space<hbm>> -> memref<10000x48xf32, #tpu.memory_space<hbm>>
    tpu.wait_indirect_dma semaphore(%arg15 : memref<!tpu.dma_semaphore, #tpu.memory_space<semaphore_mem>>) src(%dma_wait3A_46 : memref<10000x48xf32, #tpu.memory_space<hbm>>) dst(%arg10 : memref<80x48xf32, #tpu.memory_space<vmem>>)
    %dma_start3A_47 = arith.constant 1 : i32
    %dma_start3A_48 = arith.constant 0 : i32
    %dma_start3A_49 = tpu.memref_slice %arg8[%dma_start3A_47, %dma_start3A_48] : memref<125x80xi32, #tpu.memory_space<vmem>> -> memref<1x80xi32, #tpu.memory_space<vmem>>
    %dma_start3A_50 = tpu.memref_squeeze %dma_start3A_49 : memref<1x80xi32, #tpu.memory_space<vmem>> -> memref<80xi32, #tpu.memory_space<vmem>>
    %dma_start3A_51 = arith.constant 0 : i32
    %dma_start3A_52 = arith.constant 0 : i32
    %dma_start3A_53 = tpu.memref_slice %arg13[%dma_start3A_51, %dma_start3A_52] : memref<10000x48xf32, #tpu.memory_space<vmem_shared>> -> memref<10000x48xf32, #tpu.memory_space<vmem_shared>>
    tpu.enqueue_indirect_dma source(%arg10 : memref<80x48xf32, #tpu.memory_space<vmem>>) target(%dma_start3A_53 : memref<10000x48xf32, #tpu.memory_space<vmem_shared>>) offsets(%dma_start3A_50 : memref<80xi32, #tpu.memory_space<vmem>>) semaphore(%arg19 : memref<!tpu.dma_semaphore, #tpu.memory_space<semaphore_mem>>) {add = true}
    %dma_start3A_54 = arith.constant 3 : i32
    %dma_start3A_55 = arith.constant 0 : i32
    %dma_start3A_56 = tpu.memref_slice %arg7[%dma_start3A_54, %dma_start3A_55] : memref<125x80xi32, #tpu.memory_space<vmem>> -> memref<1x80xi32, #tpu.memory_space<vmem>>
    %dma_start3A_57 = tpu.memref_squeeze %dma_start3A_56 : memref<1x80xi32, #tpu.memory_space<vmem>> -> memref<80xi32, #tpu.memory_space<vmem>>
    %dma_start3A_58 = arith.constant 0 : i32
    %dma_start3A_59 = arith.constant 0 : i32
    %dma_start3A_60 = tpu.memref_slice %arg2[%dma_start3A_58, %dma_start3A_59] : memref<10000x48xf32, #tpu.memory_space<hbm>> -> memref<10000x48xf32, #tpu.memory_space<hbm>>
    tpu.enqueue_indirect_dma source(%dma_start3A_60 : memref<10000x48xf32, #tpu.memory_space<hbm>>) target(%arg12 : memref<80x48xf32, #tpu.memory_space<vmem>>) offsets(%dma_start3A_57 : memref<80xi32, #tpu.memory_space<vmem>>) semaphore(%arg17 : memref<!tpu.dma_semaphore, #tpu.memory_space<semaphore_mem>>)
    %scan3A = arith.constant 0 : i32
    %scan3A_61 = arith.constant 0 : i32
    %scan3A_62 = arith.constant 30 : i32
    %scan3A_63 = arith.addi %scan3A_61, %scan3A_62 : i32
    %scan3A_64 = arith.constant 1 : i32
    scf.for %scan3A_155 = %scan3A_61 to %scan3A_63 step %scan3A_64  : i32 {
      %mul3A_156 = arith.constant 4 : i32
      %mul3A_157 = arith.muli %mul3A_156, %scan3A_155 : i32
      %add3A_158 = arith.constant 2 : i32
      %add3A_159 = arith.addi %mul3A_157, %add3A_158 : i32
      %add3A_160 = arith.constant 0 : i32
      %add3A_161 = arith.addi %add3A_159, %add3A_160 : i32
      %dma_wait3A_162 = arith.constant 0 : i32
      %dma_wait3A_163 = tpu.memref_slice %arg7[%add3A_161, %dma_wait3A_162] : memref<125x80xi32, #tpu.memory_space<vmem>> -> memref<1x80xi32, #tpu.memory_space<vmem>>
      %dma_wait3A_164 = tpu.memref_squeeze %dma_wait3A_163 : memref<1x80xi32, #tpu.memory_space<vmem>> -> memref<80xi32, #tpu.memory_space<vmem>>
      %dma_wait3A_165 = arith.constant 0 : i32
      %dma_wait3A_166 = arith.constant 0 : i32
      %dma_wait3A_167 = tpu.memref_slice %arg2[%dma_wait3A_165, %dma_wait3A_166] : memref<10000x48xf32, #tpu.memory_space<hbm>> -> memref<10000x48xf32, #tpu.memory_space<hbm>>
      tpu.wait_indirect_dma semaphore(%arg16 : memref<!tpu.dma_semaphore, #tpu.memory_space<semaphore_mem>>) src(%dma_wait3A_167 : memref<10000x48xf32, #tpu.memory_space<hbm>>) dst(%arg11 : memref<80x48xf32, #tpu.memory_space<vmem>>)
      %dma_start3A_168 = arith.constant 0 : i32
      %dma_start3A_169 = tpu.memref_slice %arg8[%add3A_161, %dma_start3A_168] : memref<125x80xi32, #tpu.memory_space<vmem>> -> memref<1x80xi32, #tpu.memory_space<vmem>>
      %dma_start3A_170 = tpu.memref_squeeze %dma_start3A_169 : memref<1x80xi32, #tpu.memory_space<vmem>> -> memref<80xi32, #tpu.memory_space<vmem>>
      %dma_start3A_171 = arith.constant 0 : i32
      %dma_start3A_172 = arith.constant 0 : i32
      %dma_start3A_173 = tpu.memref_slice %arg13[%dma_start3A_171, %dma_start3A_172] : memref<10000x48xf32, #tpu.memory_space<vmem_shared>> -> memref<10000x48xf32, #tpu.memory_space<vmem_shared>>
      tpu.enqueue_indirect_dma source(%arg11 : memref<80x48xf32, #tpu.memory_space<vmem>>) target(%dma_start3A_173 : memref<10000x48xf32, #tpu.memory_space<vmem_shared>>) offsets(%dma_start3A_170 : memref<80xi32, #tpu.memory_space<vmem>>) semaphore(%arg20 : memref<!tpu.dma_semaphore, #tpu.memory_space<semaphore_mem>>) {add = true}
      %sub3A = arith.constant 2 : i32
      %sub3A_174 = arith.subi %add3A_161, %sub3A : i32
      %dma_wait3A_175 = arith.constant 0 : i32
      %dma_wait3A_176 = tpu.memref_slice %arg8[%sub3A_174, %dma_wait3A_175] : memref<125x80xi32, #tpu.memory_space<vmem>> -> memref<1x80xi32, #tpu.memory_space<vmem>>
      %dma_wait3A_177 = tpu.memref_squeeze %dma_wait3A_176 : memref<1x80xi32, #tpu.memory_space<vmem>> -> memref<80xi32, #tpu.memory_space<vmem>>
      %dma_wait3A_178 = arith.constant 0 : i32
      %dma_wait3A_179 = arith.constant 0 : i32
      %dma_wait3A_180 = tpu.memref_slice %arg13[%dma_wait3A_178, %dma_wait3A_179] : memref<10000x48xf32, #tpu.memory_space<vmem_shared>> -> memref<10000x48xf32, #tpu.memory_space<vmem_shared>>
      tpu.wait_indirect_dma semaphore(%arg18 : memref<!tpu.dma_semaphore, #tpu.memory_space<semaphore_mem>>) src(%arg9 : memref<80x48xf32, #tpu.memory_space<vmem>>) dst(%dma_wait3A_180 : memref<10000x48xf32, #tpu.memory_space<vmem_shared>>)
      %add3A_181 = arith.constant 2 : i32
      %add3A_182 = arith.addi %add3A_161, %add3A_181 : i32
      %dma_start3A_183 = arith.constant 0 : i32
      %dma_start3A_184 = tpu.memref_slice %arg7[%add3A_182, %dma_start3A_183] : memref<125x80xi32, #tpu.memory_space<vmem>> -> memref<1x80xi32, #tpu.memory_space<vmem>>
      %dma_start3A_185 = tpu.memref_squeeze %dma_start3A_184 : memref<1x80xi32, #tpu.memory_space<vmem>> -> memref<80xi32, #tpu.memory_space<vmem>>
      %dma_start3A_186 = arith.constant 0 : i32
      %dma_start3A_187 = arith.constant 0 : i32
      %dma_start3A_188 = tpu.memref_slice %arg2[%dma_start3A_186, %dma_start3A_187] : memref<10000x48xf32, #tpu.memory_space<hbm>> -> memref<10000x48xf32, #tpu.memory_space<hbm>>
      tpu.enqueue_indirect_dma source(%dma_start3A_188 : memref<10000x48xf32, #tpu.memory_space<hbm>>) target(%arg9 : memref<80x48xf32, #tpu.memory_space<vmem>>) offsets(%dma_start3A_185 : memref<80xi32, #tpu.memory_space<vmem>>) semaphore(%arg14 : memref<!tpu.dma_semaphore, #tpu.memory_space<semaphore_mem>>)
      %add3A_189 = arith.constant 1 : i32
      %add3A_190 = arith.addi %add3A_159, %add3A_189 : i32
      %dma_wait3A_191 = arith.constant 0 : i32
      %dma_wait3A_192 = tpu.memref_slice %arg7[%add3A_190, %dma_wait3A_191] : memref<125x80xi32, #tpu.memory_space<vmem>> -> memref<1x80xi32, #tpu.memory_space<vmem>>
      %dma_wait3A_193 = tpu.memref_squeeze %dma_wait3A_192 : memref<1x80xi32, #tpu.memory_space<vmem>> -> memref<80xi32, #tpu.memory_space<vmem>>
      %dma_wait3A_194 = arith.constant 0 : i32
      %dma_wait3A_195 = arith.constant 0 : i32
      %dma_wait3A_196 = tpu.memref_slice %arg2[%dma_wait3A_194, %dma_wait3A_195] : memref<10000x48xf32, #tpu.memory_space<hbm>> -> memref<10000x48xf32, #tpu.memory_space<hbm>>
      tpu.wait_indirect_dma semaphore(%arg17 : memref<!tpu.dma_semaphore, #tpu.memory_space<semaphore_mem>>) src(%dma_wait3A_196 : memref<10000x48xf32, #tpu.memory_space<hbm>>) dst(%arg12 : memref<80x48xf32, #tpu.memory_space<vmem>>)
      %dma_start3A_197 = arith.constant 0 : i32
      %dma_start3A_198 = tpu.memref_slice %arg8[%add3A_190, %dma_start3A_197] : memref<125x80xi32, #tpu.memory_space<vmem>> -> memref<1x80xi32, #tpu.memory_space<vmem>>
      %dma_start3A_199 = tpu.memref_squeeze %dma_start3A_198 : memref<1x80xi32, #tpu.memory_space<vmem>> -> memref<80xi32, #tpu.memory_space<vmem>>
      %dma_start3A_200 = arith.constant 0 : i32
      %dma_start3A_201 = arith.constant 0 : i32
      %dma_start3A_202 = tpu.memref_slice %arg13[%dma_start3A_200, %dma_start3A_201] : memref<10000x48xf32, #tpu.memory_space<vmem_shared>> -> memref<10000x48xf32, #tpu.memory_space<vmem_shared>>
      tpu.enqueue_indirect_dma source(%arg12 : memref<80x48xf32, #tpu.memory_space<vmem>>) target(%dma_start3A_202 : memref<10000x48xf32, #tpu.memory_space<vmem_shared>>) offsets(%dma_start3A_199 : memref<80xi32, #tpu.memory_space<vmem>>) semaphore(%arg21 : memref<!tpu.dma_semaphore, #tpu.memory_space<semaphore_mem>>) {add = true}
      %sub3A_203 = arith.constant 2 : i32
      %sub3A_204 = arith.subi %add3A_190, %sub3A_203 : i32
      %dma_wait3A_205 = arith.constant 0 : i32
      %dma_wait3A_206 = tpu.memref_slice %arg8[%sub3A_204, %dma_wait3A_205] : memref<125x80xi32, #tpu.memory_space<vmem>> -> memref<1x80xi32, #tpu.memory_space<vmem>>
      %dma_wait3A_207 = tpu.memref_squeeze %dma_wait3A_206 : memref<1x80xi32, #tpu.memory_space<vmem>> -> memref<80xi32, #tpu.memory_space<vmem>>
      %dma_wait3A_208 = arith.constant 0 : i32
      %dma_wait3A_209 = arith.constant 0 : i32
      %dma_wait3A_210 = tpu.memref_slice %arg13[%dma_wait3A_208, %dma_wait3A_209] : memref<10000x48xf32, #tpu.memory_space<vmem_shared>> -> memref<10000x48xf32, #tpu.memory_space<vmem_shared>>
      tpu.wait_indirect_dma semaphore(%arg19 : memref<!tpu.dma_semaphore, #tpu.memory_space<semaphore_mem>>) src(%arg10 : memref<80x48xf32, #tpu.memory_space<vmem>>) dst(%dma_wait3A_210 : memref<10000x48xf32, #tpu.memory_space<vmem_shared>>)
      %add3A_211 = arith.constant 2 : i32
      %add3A_212 = arith.addi %add3A_190, %add3A_211 : i32
      %dma_start3A_213 = arith.constant 0 : i32
      %dma_start3A_214 = tpu.memref_slice %arg7[%add3A_212, %dma_start3A_213] : memref<125x80xi32, #tpu.memory_space<vmem>> -> memref<1x80xi32, #tpu.memory_space<vmem>>
      %dma_start3A_215 = tpu.memref_squeeze %dma_start3A_214 : memref<1x80xi32, #tpu.memory_space<vmem>> -> memref<80xi32, #tpu.memory_space<vmem>>
      %dma_start3A_216 = arith.constant 0 : i32
      %dma_start3A_217 = arith.constant 0 : i32
      %dma_start3A_218 = tpu.memref_slice %arg2[%dma_start3A_216, %dma_start3A_217] : memref<10000x48xf32, #tpu.memory_space<hbm>> -> memref<10000x48xf32, #tpu.memory_space<hbm>>
      tpu.enqueue_indirect_dma source(%dma_start3A_218 : memref<10000x48xf32, #tpu.memory_space<hbm>>) target(%arg10 : memref<80x48xf32, #tpu.memory_space<vmem>>) offsets(%dma_start3A_215 : memref<80xi32, #tpu.memory_space<vmem>>) semaphore(%arg15 : memref<!tpu.dma_semaphore, #tpu.memory_space<semaphore_mem>>)
      %add3A_219 = arith.constant 2 : i32
      %add3A_220 = arith.addi %add3A_159, %add3A_219 : i32
      %dma_wait3A_221 = arith.constant 0 : i32
      %dma_wait3A_222 = tpu.memref_slice %arg7[%add3A_220, %dma_wait3A_221] : memref<125x80xi32, #tpu.memory_space<vmem>> -> memref<1x80xi32, #tpu.memory_space<vmem>>
      %dma_wait3A_223 = tpu.memref_squeeze %dma_wait3A_222 : memref<1x80xi32, #tpu.memory_space<vmem>> -> memref<80xi32, #tpu.memory_space<vmem>>
      %dma_wait3A_224 = arith.constant 0 : i32
      %dma_wait3A_225 = arith.constant 0 : i32
      %dma_wait3A_226 = tpu.memref_slice %arg2[%dma_wait3A_224, %dma_wait3A_225] : memref<10000x48xf32, #tpu.memory_space<hbm>> -> memref<10000x48xf32, #tpu.memory_space<hbm>>
      tpu.wait_indirect_dma semaphore(%arg14 : memref<!tpu.dma_semaphore, #tpu.memory_space<semaphore_mem>>) src(%dma_wait3A_226 : memref<10000x48xf32, #tpu.memory_space<hbm>>) dst(%arg9 : memref<80x48xf32, #tpu.memory_space<vmem>>)
      %dma_start3A_227 = arith.constant 0 : i32
      %dma_start3A_228 = tpu.memref_slice %arg8[%add3A_220, %dma_start3A_227] : memref<125x80xi32, #tpu.memory_space<vmem>> -> memref<1x80xi32, #tpu.memory_space<vmem>>
      %dma_start3A_229 = tpu.memref_squeeze %dma_start3A_228 : memref<1x80xi32, #tpu.memory_space<vmem>> -> memref<80xi32, #tpu.memory_space<vmem>>
      %dma_start3A_230 = arith.constant 0 : i32
      %dma_start3A_231 = arith.constant 0 : i32
      %dma_start3A_232 = tpu.memref_slice %arg13[%dma_start3A_230, %dma_start3A_231] : memref<10000x48xf32, #tpu.memory_space<vmem_shared>> -> memref<10000x48xf32, #tpu.memory_space<vmem_shared>>
      tpu.enqueue_indirect_dma source(%arg9 : memref<80x48xf32, #tpu.memory_space<vmem>>) target(%dma_start3A_232 : memref<10000x48xf32, #tpu.memory_space<vmem_shared>>) offsets(%dma_start3A_229 : memref<80xi32, #tpu.memory_space<vmem>>) semaphore(%arg18 : memref<!tpu.dma_semaphore, #tpu.memory_space<semaphore_mem>>) {add = true}
      %sub3A_233 = arith.constant 2 : i32
      %sub3A_234 = arith.subi %add3A_220, %sub3A_233 : i32
      %dma_wait3A_235 = arith.constant 0 : i32
      %dma_wait3A_236 = tpu.memref_slice %arg8[%sub3A_234, %dma_wait3A_235] : memref<125x80xi32, #tpu.memory_space<vmem>> -> memref<1x80xi32, #tpu.memory_space<vmem>>
      %dma_wait3A_237 = tpu.memref_squeeze %dma_wait3A_236 : memref<1x80xi32, #tpu.memory_space<vmem>> -> memref<80xi32, #tpu.memory_space<vmem>>
      %dma_wait3A_238 = arith.constant 0 : i32
      %dma_wait3A_239 = arith.constant 0 : i32
      %dma_wait3A_240 = tpu.memref_slice %arg13[%dma_wait3A_238, %dma_wait3A_239] : memref<10000x48xf32, #tpu.memory_space<vmem_shared>> -> memref<10000x48xf32, #tpu.memory_space<vmem_shared>>
      tpu.wait_indirect_dma semaphore(%arg20 : memref<!tpu.dma_semaphore, #tpu.memory_space<semaphore_mem>>) src(%arg11 : memref<80x48xf32, #tpu.memory_space<vmem>>) dst(%dma_wait3A_240 : memref<10000x48xf32, #tpu.memory_space<vmem_shared>>)
      %add3A_241 = arith.constant 2 : i32
      %add3A_242 = arith.addi %add3A_220, %add3A_241 : i32
      %dma_start3A_243 = arith.constant 0 : i32
      %dma_start3A_244 = tpu.memref_slice %arg7[%add3A_242, %dma_start3A_243] : memref<125x80xi32, #tpu.memory_space<vmem>> -> memref<1x80xi32, #tpu.memory_space<vmem>>
      %dma_start3A_245 = tpu.memref_squeeze %dma_start3A_244 : memref<1x80xi32, #tpu.memory_space<vmem>> -> memref<80xi32, #tpu.memory_space<vmem>>
      %dma_start3A_246 = arith.constant 0 : i32
      %dma_start3A_247 = arith.constant 0 : i32
      %dma_start3A_248 = tpu.memref_slice %arg2[%dma_start3A_246, %dma_start3A_247] : memref<10000x48xf32, #tpu.memory_space<hbm>> -> memref<10000x48xf32, #tpu.memory_space<hbm>>
      tpu.enqueue_indirect_dma source(%dma_start3A_248 : memref<10000x48xf32, #tpu.memory_space<hbm>>) target(%arg11 : memref<80x48xf32, #tpu.memory_space<vmem>>) offsets(%dma_start3A_245 : memref<80xi32, #tpu.memory_space<vmem>>) semaphore(%arg16 : memref<!tpu.dma_semaphore, #tpu.memory_space<semaphore_mem>>)
      %add3A_249 = arith.constant 3 : i32
      %add3A_250 = arith.addi %add3A_159, %add3A_249 : i32
      %dma_wait3A_251 = arith.constant 0 : i32
      %dma_wait3A_252 = tpu.memref_slice %arg7[%add3A_250, %dma_wait3A_251] : memref<125x80xi32, #tpu.memory_space<vmem>> -> memref<1x80xi32, #tpu.memory_space<vmem>>
      %dma_wait3A_253 = tpu.memref_squeeze %dma_wait3A_252 : memref<1x80xi32, #tpu.memory_space<vmem>> -> memref<80xi32, #tpu.memory_space<vmem>>
      %dma_wait3A_254 = arith.constant 0 : i32
      %dma_wait3A_255 = arith.constant 0 : i32
      %dma_wait3A_256 = tpu.memref_slice %arg2[%dma_wait3A_254, %dma_wait3A_255] : memref<10000x48xf32, #tpu.memory_space<hbm>> -> memref<10000x48xf32, #tpu.memory_space<hbm>>
      tpu.wait_indirect_dma semaphore(%arg15 : memref<!tpu.dma_semaphore, #tpu.memory_space<semaphore_mem>>) src(%dma_wait3A_256 : memref<10000x48xf32, #tpu.memory_space<hbm>>) dst(%arg10 : memref<80x48xf32, #tpu.memory_space<vmem>>)
      %dma_start3A_257 = arith.constant 0 : i32
      %dma_start3A_258 = tpu.memref_slice %arg8[%add3A_250, %dma_start3A_257] : memref<125x80xi32, #tpu.memory_space<vmem>> -> memref<1x80xi32, #tpu.memory_space<vmem>>
      %dma_start3A_259 = tpu.memref_squeeze %dma_start3A_258 : memref<1x80xi32, #tpu.memory_space<vmem>> -> memref<80xi32, #tpu.memory_space<vmem>>
      %dma_start3A_260 = arith.constant 0 : i32
      %dma_start3A_261 = arith.constant 0 : i32
      %dma_start3A_262 = tpu.memref_slice %arg13[%dma_start3A_260, %dma_start3A_261] : memref<10000x48xf32, #tpu.memory_space<vmem_shared>> -> memref<10000x48xf32, #tpu.memory_space<vmem_shared>>
      tpu.enqueue_indirect_dma source(%arg10 : memref<80x48xf32, #tpu.memory_space<vmem>>) target(%dma_start3A_262 : memref<10000x48xf32, #tpu.memory_space<vmem_shared>>) offsets(%dma_start3A_259 : memref<80xi32, #tpu.memory_space<vmem>>) semaphore(%arg19 : memref<!tpu.dma_semaphore, #tpu.memory_space<semaphore_mem>>) {add = true}
      %sub3A_263 = arith.constant 2 : i32
      %sub3A_264 = arith.subi %add3A_250, %sub3A_263 : i32
      %dma_wait3A_265 = arith.constant 0 : i32
      %dma_wait3A_266 = tpu.memref_slice %arg8[%sub3A_264, %dma_wait3A_265] : memref<125x80xi32, #tpu.memory_space<vmem>> -> memref<1x80xi32, #tpu.memory_space<vmem>>
      %dma_wait3A_267 = tpu.memref_squeeze %dma_wait3A_266 : memref<1x80xi32, #tpu.memory_space<vmem>> -> memref<80xi32, #tpu.memory_space<vmem>>
      %dma_wait3A_268 = arith.constant 0 : i32
      %dma_wait3A_269 = arith.constant 0 : i32
      %dma_wait3A_270 = tpu.memref_slice %arg13[%dma_wait3A_268, %dma_wait3A_269] : memref<10000x48xf32, #tpu.memory_space<vmem_shared>> -> memref<10000x48xf32, #tpu.memory_space<vmem_shared>>
      tpu.wait_indirect_dma semaphore(%arg21 : memref<!tpu.dma_semaphore, #tpu.memory_space<semaphore_mem>>) src(%arg12 : memref<80x48xf32, #tpu.memory_space<vmem>>) dst(%dma_wait3A_270 : memref<10000x48xf32, #tpu.memory_space<vmem_shared>>)
      %add3A_271 = arith.constant 2 : i32
      %add3A_272 = arith.addi %add3A_250, %add3A_271 : i32
      %dma_start3A_273 = arith.constant 0 : i32
      %dma_start3A_274 = tpu.memref_slice %arg7[%add3A_272, %dma_start3A_273] : memref<125x80xi32, #tpu.memory_space<vmem>> -> memref<1x80xi32, #tpu.memory_space<vmem>>
      %dma_start3A_275 = tpu.memref_squeeze %dma_start3A_274 : memref<1x80xi32, #tpu.memory_space<vmem>> -> memref<80xi32, #tpu.memory_space<vmem>>
      %dma_start3A_276 = arith.constant 0 : i32
      %dma_start3A_277 = arith.constant 0 : i32
      %dma_start3A_278 = tpu.memref_slice %arg2[%dma_start3A_276, %dma_start3A_277] : memref<10000x48xf32, #tpu.memory_space<hbm>> -> memref<10000x48xf32, #tpu.memory_space<hbm>>
      tpu.enqueue_indirect_dma source(%dma_start3A_278 : memref<10000x48xf32, #tpu.memory_space<hbm>>) target(%arg12 : memref<80x48xf32, #tpu.memory_space<vmem>>) offsets(%dma_start3A_275 : memref<80xi32, #tpu.memory_space<vmem>>) semaphore(%arg17 : memref<!tpu.dma_semaphore, #tpu.memory_space<semaphore_mem>>)
    }
    %scan3A_65 = arith.constant 30 : i32
    %dma_wait3A_66 = arith.constant 122 : i32
    %dma_wait3A_67 = arith.constant 0 : i32
    %dma_wait3A_68 = tpu.memref_slice %arg7[%dma_wait3A_66, %dma_wait3A_67] : memref<125x80xi32, #tpu.memory_space<vmem>> -> memref<1x80xi32, #tpu.memory_space<vmem>>
    %dma_wait3A_69 = tpu.memref_squeeze %dma_wait3A_68 : memref<1x80xi32, #tpu.memory_space<vmem>> -> memref<80xi32, #tpu.memory_space<vmem>>
    %dma_wait3A_70 = arith.constant 0 : i32
    %dma_wait3A_71 = arith.constant 0 : i32
    %dma_wait3A_72 = tpu.memref_slice %arg2[%dma_wait3A_70, %dma_wait3A_71] : memref<10000x48xf32, #tpu.memory_space<hbm>> -> memref<10000x48xf32, #tpu.memory_space<hbm>>
    tpu.wait_indirect_dma semaphore(%arg16 : memref<!tpu.dma_semaphore, #tpu.memory_space<semaphore_mem>>) src(%dma_wait3A_72 : memref<10000x48xf32, #tpu.memory_space<hbm>>) dst(%arg11 : memref<80x48xf32, #tpu.memory_space<vmem>>)
    %dma_start3A_73 = arith.constant 122 : i32
    %dma_start3A_74 = arith.constant 0 : i32
    %dma_start3A_75 = tpu.memref_slice %arg8[%dma_start3A_73, %dma_start3A_74] : memref<125x80xi32, #tpu.memory_space<vmem>> -> memref<1x80xi32, #tpu.memory_space<vmem>>
    %dma_start3A_76 = tpu.memref_squeeze %dma_start3A_75 : memref<1x80xi32, #tpu.memory_space<vmem>> -> memref<80xi32, #tpu.memory_space<vmem>>
    %dma_start3A_77 = arith.constant 0 : i32
    %dma_start3A_78 = arith.constant 0 : i32
    %dma_start3A_79 = tpu.memref_slice %arg13[%dma_start3A_77, %dma_start3A_78] : memref<10000x48xf32, #tpu.memory_space<vmem_shared>> -> memref<10000x48xf32, #tpu.memory_space<vmem_shared>>
    tpu.enqueue_indirect_dma source(%arg11 : memref<80x48xf32, #tpu.memory_space<vmem>>) target(%dma_start3A_79 : memref<10000x48xf32, #tpu.memory_space<vmem_shared>>) offsets(%dma_start3A_76 : memref<80xi32, #tpu.memory_space<vmem>>) semaphore(%arg20 : memref<!tpu.dma_semaphore, #tpu.memory_space<semaphore_mem>>) {add = true}
    %dma_wait3A_80 = arith.constant 120 : i32
    %dma_wait3A_81 = arith.constant 0 : i32
    %dma_wait3A_82 = tpu.memref_slice %arg8[%dma_wait3A_80, %dma_wait3A_81] : memref<125x80xi32, #tpu.memory_space<vmem>> -> memref<1x80xi32, #tpu.memory_space<vmem>>
    %dma_wait3A_83 = tpu.memref_squeeze %dma_wait3A_82 : memref<1x80xi32, #tpu.memory_space<vmem>> -> memref<80xi32, #tpu.memory_space<vmem>>
    %dma_wait3A_84 = arith.constant 0 : i32
    %dma_wait3A_85 = arith.constant 0 : i32
    %dma_wait3A_86 = tpu.memref_slice %arg13[%dma_wait3A_84, %dma_wait3A_85] : memref<10000x48xf32, #tpu.memory_space<vmem_shared>> -> memref<10000x48xf32, #tpu.memory_space<vmem_shared>>
    tpu.wait_indirect_dma semaphore(%arg18 : memref<!tpu.dma_semaphore, #tpu.memory_space<semaphore_mem>>) src(%arg9 : memref<80x48xf32, #tpu.memory_space<vmem>>) dst(%dma_wait3A_86 : memref<10000x48xf32, #tpu.memory_space<vmem_shared>>)
    %dma_start3A_87 = arith.constant 124 : i32
    %dma_start3A_88 = arith.constant 0 : i32
    %dma_start3A_89 = tpu.memref_slice %arg7[%dma_start3A_87, %dma_start3A_88] : memref<125x80xi32, #tpu.memory_space<vmem>> -> memref<1x80xi32, #tpu.memory_space<vmem>>
    %dma_start3A_90 = tpu.memref_squeeze %dma_start3A_89 : memref<1x80xi32, #tpu.memory_space<vmem>> -> memref<80xi32, #tpu.memory_space<vmem>>
    %dma_start3A_91 = arith.constant 0 : i32
    %dma_start3A_92 = arith.constant 0 : i32
    %dma_start3A_93 = tpu.memref_slice %arg2[%dma_start3A_91, %dma_start3A_92] : memref<10000x48xf32, #tpu.memory_space<hbm>> -> memref<10000x48xf32, #tpu.memory_space<hbm>>
    tpu.enqueue_indirect_dma source(%dma_start3A_93 : memref<10000x48xf32, #tpu.memory_space<hbm>>) target(%arg9 : memref<80x48xf32, #tpu.memory_space<vmem>>) offsets(%dma_start3A_90 : memref<80xi32, #tpu.memory_space<vmem>>) semaphore(%arg14 : memref<!tpu.dma_semaphore, #tpu.memory_space<semaphore_mem>>)
    %dma_wait3A_94 = arith.constant 123 : i32
    %dma_wait3A_95 = arith.constant 0 : i32
    %dma_wait3A_96 = tpu.memref_slice %arg7[%dma_wait3A_94, %dma_wait3A_95] : memref<125x80xi32, #tpu.memory_space<vmem>> -> memref<1x80xi32, #tpu.memory_space<vmem>>
    %dma_wait3A_97 = tpu.memref_squeeze %dma_wait3A_96 : memref<1x80xi32, #tpu.memory_space<vmem>> -> memref<80xi32, #tpu.memory_space<vmem>>
    %dma_wait3A_98 = arith.constant 0 : i32
    %dma_wait3A_99 = arith.constant 0 : i32
    %dma_wait3A_100 = tpu.memref_slice %arg2[%dma_wait3A_98, %dma_wait3A_99] : memref<10000x48xf32, #tpu.memory_space<hbm>> -> memref<10000x48xf32, #tpu.memory_space<hbm>>
    tpu.wait_indirect_dma semaphore(%arg17 : memref<!tpu.dma_semaphore, #tpu.memory_space<semaphore_mem>>) src(%dma_wait3A_100 : memref<10000x48xf32, #tpu.memory_space<hbm>>) dst(%arg12 : memref<80x48xf32, #tpu.memory_space<vmem>>)
    %dma_start3A_101 = arith.constant 123 : i32
    %dma_start3A_102 = arith.constant 0 : i32
    %dma_start3A_103 = tpu.memref_slice %arg8[%dma_start3A_101, %dma_start3A_102] : memref<125x80xi32, #tpu.memory_space<vmem>> -> memref<1x80xi32, #tpu.memory_space<vmem>>
    %dma_start3A_104 = tpu.memref_squeeze %dma_start3A_103 : memref<1x80xi32, #tpu.memory_space<vmem>> -> memref<80xi32, #tpu.memory_space<vmem>>
    %dma_start3A_105 = arith.constant 0 : i32
    %dma_start3A_106 = arith.constant 0 : i32
    %dma_start3A_107 = tpu.memref_slice %arg13[%dma_start3A_105, %dma_start3A_106] : memref<10000x48xf32, #tpu.memory_space<vmem_shared>> -> memref<10000x48xf32, #tpu.memory_space<vmem_shared>>
    tpu.enqueue_indirect_dma source(%arg12 : memref<80x48xf32, #tpu.memory_space<vmem>>) target(%dma_start3A_107 : memref<10000x48xf32, #tpu.memory_space<vmem_shared>>) offsets(%dma_start3A_104 : memref<80xi32, #tpu.memory_space<vmem>>) semaphore(%arg21 : memref<!tpu.dma_semaphore, #tpu.memory_space<semaphore_mem>>) {add = true}
    %dma_wait3A_108 = arith.constant 124 : i32
    %dma_wait3A_109 = arith.constant 0 : i32
    %dma_wait3A_110 = tpu.memref_slice %arg7[%dma_wait3A_108, %dma_wait3A_109] : memref<125x80xi32, #tpu.memory_space<vmem>> -> memref<1x80xi32, #tpu.memory_space<vmem>>
    %dma_wait3A_111 = tpu.memref_squeeze %dma_wait3A_110 : memref<1x80xi32, #tpu.memory_space<vmem>> -> memref<80xi32, #tpu.memory_space<vmem>>
    %dma_wait3A_112 = arith.constant 0 : i32
    %dma_wait3A_113 = arith.constant 0 : i32
    %dma_wait3A_114 = tpu.memref_slice %arg2[%dma_wait3A_112, %dma_wait3A_113] : memref<10000x48xf32, #tpu.memory_space<hbm>> -> memref<10000x48xf32, #tpu.memory_space<hbm>>
    tpu.wait_indirect_dma semaphore(%arg14 : memref<!tpu.dma_semaphore, #tpu.memory_space<semaphore_mem>>) src(%dma_wait3A_114 : memref<10000x48xf32, #tpu.memory_space<hbm>>) dst(%arg9 : memref<80x48xf32, #tpu.memory_space<vmem>>)
    %dma_start3A_115 = arith.constant 124 : i32
    %dma_start3A_116 = arith.constant 0 : i32
    %dma_start3A_117 = tpu.memref_slice %arg8[%dma_start3A_115, %dma_start3A_116] : memref<125x80xi32, #tpu.memory_space<vmem>> -> memref<1x80xi32, #tpu.memory_space<vmem>>
    %dma_start3A_118 = tpu.memref_squeeze %dma_start3A_117 : memref<1x80xi32, #tpu.memory_space<vmem>> -> memref<80xi32, #tpu.memory_space<vmem>>
    %dma_start3A_119 = arith.constant 0 : i32
    %dma_start3A_120 = arith.constant 0 : i32
    %dma_start3A_121 = tpu.memref_slice %arg13[%dma_start3A_119, %dma_start3A_120] : memref<10000x48xf32, #tpu.memory_space<vmem_shared>> -> memref<10000x48xf32, #tpu.memory_space<vmem_shared>>
    tpu.enqueue_indirect_dma source(%arg9 : memref<80x48xf32, #tpu.memory_space<vmem>>) target(%dma_start3A_121 : memref<10000x48xf32, #tpu.memory_space<vmem_shared>>) offsets(%dma_start3A_118 : memref<80xi32, #tpu.memory_space<vmem>>) semaphore(%arg18 : memref<!tpu.dma_semaphore, #tpu.memory_space<semaphore_mem>>) {add = true}
    %dma_wait3A_122 = arith.constant 121 : i32
    %dma_wait3A_123 = arith.constant 0 : i32
    %dma_wait3A_124 = tpu.memref_slice %arg8[%dma_wait3A_122, %dma_wait3A_123] : memref<125x80xi32, #tpu.memory_space<vmem>> -> memref<1x80xi32, #tpu.memory_space<vmem>>
    %dma_wait3A_125 = tpu.memref_squeeze %dma_wait3A_124 : memref<1x80xi32, #tpu.memory_space<vmem>> -> memref<80xi32, #tpu.memory_space<vmem>>
    %dma_wait3A_126 = arith.constant 0 : i32
    %dma_wait3A_127 = arith.constant 0 : i32
    %dma_wait3A_128 = tpu.memref_slice %arg13[%dma_wait3A_126, %dma_wait3A_127] : memref<10000x48xf32, #tpu.memory_space<vmem_shared>> -> memref<10000x48xf32, #tpu.memory_space<vmem_shared>>
    tpu.wait_indirect_dma semaphore(%arg19 : memref<!tpu.dma_semaphore, #tpu.memory_space<semaphore_mem>>) src(%arg10 : memref<80x48xf32, #tpu.memory_space<vmem>>) dst(%dma_wait3A_128 : memref<10000x48xf32, #tpu.memory_space<vmem_shared>>)
    %dma_wait3A_129 = arith.constant 122 : i32
    %dma_wait3A_130 = arith.constant 0 : i32
    %dma_wait3A_131 = tpu.memref_slice %arg8[%dma_wait3A_129, %dma_wait3A_130] : memref<125x80xi32, #tpu.memory_space<vmem>> -> memref<1x80xi32, #tpu.memory_space<vmem>>
    %dma_wait3A_132 = tpu.memref_squeeze %dma_wait3A_131 : memref<1x80xi32, #tpu.memory_space<vmem>> -> memref<80xi32, #tpu.memory_space<vmem>>
    %dma_wait3A_133 = arith.constant 0 : i32
    %dma_wait3A_134 = arith.constant 0 : i32
    %dma_wait3A_135 = tpu.memref_slice %arg13[%dma_wait3A_133, %dma_wait3A_134] : memref<10000x48xf32, #tpu.memory_space<vmem_shared>> -> memref<10000x48xf32, #tpu.memory_space<vmem_shared>>
    tpu.wait_indirect_dma semaphore(%arg20 : memref<!tpu.dma_semaphore, #tpu.memory_space<semaphore_mem>>) src(%arg11 : memref<80x48xf32, #tpu.memory_space<vmem>>) dst(%dma_wait3A_135 : memref<10000x48xf32, #tpu.memory_space<vmem_shared>>)
    %dma_wait3A_136 = arith.constant 123 : i32
    %dma_wait3A_137 = arith.constant 0 : i32
    %dma_wait3A_138 = tpu.memref_slice %arg8[%dma_wait3A_136, %dma_wait3A_137] : memref<125x80xi32, #tpu.memory_space<vmem>> -> memref<1x80xi32, #tpu.memory_space<vmem>>
    %dma_wait3A_139 = tpu.memref_squeeze %dma_wait3A_138 : memref<1x80xi32, #tpu.memory_space<vmem>> -> memref<80xi32, #tpu.memory_space<vmem>>
    %dma_wait3A_140 = arith.constant 0 : i32
    %dma_wait3A_141 = arith.constant 0 : i32
    %dma_wait3A_142 = tpu.memref_slice %arg13[%dma_wait3A_140, %dma_wait3A_141] : memref<10000x48xf32, #tpu.memory_space<vmem_shared>> -> memref<10000x48xf32, #tpu.memory_space<vmem_shared>>
    tpu.wait_indirect_dma semaphore(%arg21 : memref<!tpu.dma_semaphore, #tpu.memory_space<semaphore_mem>>) src(%arg12 : memref<80x48xf32, #tpu.memory_space<vmem>>) dst(%dma_wait3A_142 : memref<10000x48xf32, #tpu.memory_space<vmem_shared>>)
    %dma_wait3A_143 = arith.constant 124 : i32
    %dma_wait3A_144 = arith.constant 0 : i32
    %dma_wait3A_145 = tpu.memref_slice %arg8[%dma_wait3A_143, %dma_wait3A_144] : memref<125x80xi32, #tpu.memory_space<vmem>> -> memref<1x80xi32, #tpu.memory_space<vmem>>
    %dma_wait3A_146 = tpu.memref_squeeze %dma_wait3A_145 : memref<1x80xi32, #tpu.memory_space<vmem>> -> memref<80xi32, #tpu.memory_space<vmem>>
    %dma_wait3A_147 = arith.constant 0 : i32
    %dma_wait3A_148 = arith.constant 0 : i32
    %dma_wait3A_149 = tpu.memref_slice %arg13[%dma_wait3A_147, %dma_wait3A_148] : memref<10000x48xf32, #tpu.memory_space<vmem_shared>> -> memref<10000x48xf32, #tpu.memory_space<vmem_shared>>
    tpu.wait_indirect_dma semaphore(%arg18 : memref<!tpu.dma_semaphore, #tpu.memory_space<semaphore_mem>>) src(%arg9 : memref<80x48xf32, #tpu.memory_space<vmem>>) dst(%dma_wait3A_149 : memref<10000x48xf32, #tpu.memory_space<vmem_shared>>)
    %barrier3A_150 = arith.constant 0 : index
    tpu.barrier barrier_id(%barrier3A_150)
    %mul3A_151 = arith.constant 625 : i32
    %mul3A_152 = arith.muli %arg1, %mul3A_151 : i32
    %mul3A_153 = arith.constant 625 : i32
    %mul3A_154 = arith.muli %arg1, %mul3A_153 : i32
    "tpu.region"() ({
      %run_scoped3A = tpu.sem_alloc : memref<!tpu.dma_semaphore, #tpu.memory_space<semaphore_mem>>
      %dma_start3A_155 = arith.constant 0 : i32
      %dma_start3A_156 = tpu.memref_slice %arg6[%arg0, %mul3A_154, %dma_start3A_155] : memref<2x10000x48xf32, #tpu.memory_space<hbm>> -> memref<1x625x48xf32, #tpu.memory_space<hbm>>
      %dma_start3A_157 = tpu.memref_squeeze %dma_start3A_156 : memref<1x625x48xf32, #tpu.memory_space<hbm>> -> memref<625x48xf32, #tpu.memory_space<hbm>>
      %dma_start3A_158 = arith.constant 0 : i32
      %dma_start3A_159 = tpu.memref_slice %arg13[%mul3A_152, %dma_start3A_158] : memref<10000x48xf32, #tpu.memory_space<vmem_shared>> -> memref<625x48xf32, #tpu.memory_space<vmem_shared>>
      tpu.enqueue_dma source(%dma_start3A_159 : memref<625x48xf32, #tpu.memory_space<vmem_shared>>) target(%dma_start3A_157 : memref<625x48xf32, #tpu.memory_space<hbm>>) target_semaphore(%run_scoped3A : memref<!tpu.dma_semaphore, #tpu.memory_space<semaphore_mem>>)
      %dma_wait3A_160 = arith.constant 0 : i32
      %dma_wait3A_161 = tpu.memref_slice %arg6[%arg0, %mul3A_154, %dma_wait3A_160] : memref<2x10000x48xf32, #tpu.memory_space<hbm>> -> memref<1x625x48xf32, #tpu.memory_space<hbm>>
      %dma_wait3A_162 = tpu.memref_squeeze %dma_wait3A_161 : memref<1x625x48xf32, #tpu.memory_space<hbm>> -> memref<625x48xf32, #tpu.memory_space<hbm>>
      %dma_wait3A_163 = arith.constant 0 : i32
      %dma_wait3A_164 = tpu.memref_slice %arg13[%mul3A_152, %dma_wait3A_163] : memref<10000x48xf32, #tpu.memory_space<vmem_shared>> -> memref<625x48xf32, #tpu.memory_space<vmem_shared>>
      tpu.wait_dma2 semaphore(%run_scoped3A : memref<!tpu.dma_semaphore, #tpu.memory_space<semaphore_mem>>) src(%dma_wait3A_164 : memref<625x48xf32, #tpu.memory_space<vmem_shared>>) dst(%dma_wait3A_162 : memref<625x48xf32, #tpu.memory_space<hbm>>)
      tpu.yield
    }) : () -> ()
    return
  }
}

#map = affine_map<(d0, d1) -> (0, 0)>
#map1 = affine_map<(d0, d1) -> (0)>
#map2 = affine_map<(d0, d1) -> (0, 0, 0)>
module attributes {stable_mosaic.version = 14 : i64} {
  func.func @body_fn(%arg0: i32, %arg1: i32, %arg2: memref<10000x128xf32, #tpu.memory_space<hbm>>, %arg3: memref<4000x80xi32, #tpu.memory_space<hbm>>, %arg4: memref<4000x80xi32, #tpu.memory_space<hbm>>, %arg5: memref<625x128xf32, #tpu.memory_space<hbm>>, %arg6: memref<10000xf32, #tpu.memory_space<hbm>>, %arg7: memref<2x10000x128xf32, #tpu.memory_space<hbm>>, %arg8: memref<32x10000xf32, #tpu.memory_space<hbm>>, %arg9: memref<125x80xi32, #tpu.memory_space<vmem>>, %arg10: memref<125x80xi32, #tpu.memory_space<vmem>>, %arg11: memref<80x128xf32, #tpu.memory_space<vmem>>, %arg12: memref<80x128xf32, #tpu.memory_space<vmem>>, %arg13: memref<10000xf32, #tpu.memory_space<vmem>>, %arg14: memref<10000x128xf32, #tpu.memory_space<vmem_shared>>, %arg15: memref<!tpu.dma_semaphore, #tpu.memory_space<semaphore_mem>>, %arg16: memref<!tpu.dma_semaphore, #tpu.memory_space<semaphore_mem>>, %arg17: memref<!tpu.dma_semaphore, #tpu.memory_space<semaphore_mem>>, %arg18: memref<!tpu.dma_semaphore, #tpu.memory_space<semaphore_mem>>) attributes {dimension_semantics = [#tpu.dimension_semantics<core_parallel>, #tpu.dimension_semantics<subcore_parallel>], iteration_bounds = array<i64: 2, 16>, scalar_prefetch = 0 : i64, scratch_operands = 10 : i64, tpu.core_type = #tpu.core_type<sc_vector_subcore>, window_params = [{transform_indices = #map}, {transform_indices = #map}, {transform_indices = #map}, {transform_indices = #map}, {transform_indices = #map1}, {transform_indices = #map2}, {transform_indices = #map}]} {
    %mul3A = arith.constant 16 : i32
    %mul3A_0 = arith.muli %arg0, %mul3A : i32
    %add3A = arith.addi %mul3A_0, %arg1 : i32
    %broadcast_in_dim3A = arith.constant 1.000000e+00 : f32
    %broadcast_in_dim3A_1 = vector.broadcast %broadcast_in_dim3A : f32 to vector<16xf32>
    %mul3A_2 = arith.constant 125 : i32
    %mul3A_3 = arith.muli %add3A, %mul3A_2 : i32
    "tpu.region"() ({
      %run_scoped3A_49 = tpu.sem_alloc : memref<!tpu.dma_semaphore, #tpu.memory_space<semaphore_mem>>
      %dma_start3A_50 = arith.constant 0 : i32
      %dma_start3A_51 = tpu.memref_slice %arg3[%mul3A_3, %dma_start3A_50] : memref<4000x80xi32, #tpu.memory_space<hbm>> -> memref<125x80xi32, #tpu.memory_space<hbm>>
      %dma_start3A_52 = arith.constant 0 : i32
      %dma_start3A_53 = tpu.memref_slice %arg3[%mul3A_3, %dma_start3A_52] : memref<4000x80xi32, #tpu.memory_space<hbm>> -> memref<125x80xi32, #tpu.memory_space<hbm>>
      tpu.enqueue_dma source(%dma_start3A_53 : memref<125x80xi32, #tpu.memory_space<hbm>>) target(%arg9 : memref<125x80xi32, #tpu.memory_space<vmem>>) target_semaphore(%run_scoped3A_49 : memref<!tpu.dma_semaphore, #tpu.memory_space<semaphore_mem>>)
      %dma_wait3A_54 = arith.constant 0 : i32
      %dma_wait3A_55 = tpu.memref_slice %arg3[%mul3A_3, %dma_wait3A_54] : memref<4000x80xi32, #tpu.memory_space<hbm>> -> memref<125x80xi32, #tpu.memory_space<hbm>>
      %dma_wait3A_56 = arith.constant 0 : i32
      %dma_wait3A_57 = tpu.memref_slice %arg3[%mul3A_3, %dma_wait3A_56] : memref<4000x80xi32, #tpu.memory_space<hbm>> -> memref<125x80xi32, #tpu.memory_space<hbm>>
      tpu.wait_dma2 semaphore(%run_scoped3A_49 : memref<!tpu.dma_semaphore, #tpu.memory_space<semaphore_mem>>) src(%dma_wait3A_57 : memref<125x80xi32, #tpu.memory_space<hbm>>) dst(%arg9 : memref<125x80xi32, #tpu.memory_space<vmem>>)
      tpu.yield
    }) : () -> ()
    %mul3A_4 = arith.constant 125 : i32
    %mul3A_5 = arith.muli %add3A, %mul3A_4 : i32
    "tpu.region"() ({
      %run_scoped3A_49 = tpu.sem_alloc : memref<!tpu.dma_semaphore, #tpu.memory_space<semaphore_mem>>
      %dma_start3A_50 = arith.constant 0 : i32
      %dma_start3A_51 = tpu.memref_slice %arg4[%mul3A_5, %dma_start3A_50] : memref<4000x80xi32, #tpu.memory_space<hbm>> -> memref<125x80xi32, #tpu.memory_space<hbm>>
      %dma_start3A_52 = arith.constant 0 : i32
      %dma_start3A_53 = tpu.memref_slice %arg4[%mul3A_5, %dma_start3A_52] : memref<4000x80xi32, #tpu.memory_space<hbm>> -> memref<125x80xi32, #tpu.memory_space<hbm>>
      tpu.enqueue_dma source(%dma_start3A_53 : memref<125x80xi32, #tpu.memory_space<hbm>>) target(%arg10 : memref<125x80xi32, #tpu.memory_space<vmem>>) target_semaphore(%run_scoped3A_49 : memref<!tpu.dma_semaphore, #tpu.memory_space<semaphore_mem>>)
      %dma_wait3A_54 = arith.constant 0 : i32
      %dma_wait3A_55 = tpu.memref_slice %arg4[%mul3A_5, %dma_wait3A_54] : memref<4000x80xi32, #tpu.memory_space<hbm>> -> memref<125x80xi32, #tpu.memory_space<hbm>>
      %dma_wait3A_56 = arith.constant 0 : i32
      %dma_wait3A_57 = tpu.memref_slice %arg4[%mul3A_5, %dma_wait3A_56] : memref<4000x80xi32, #tpu.memory_space<hbm>> -> memref<125x80xi32, #tpu.memory_space<hbm>>
      tpu.wait_dma2 semaphore(%run_scoped3A_49 : memref<!tpu.dma_semaphore, #tpu.memory_space<semaphore_mem>>) src(%dma_wait3A_57 : memref<125x80xi32, #tpu.memory_space<hbm>>) dst(%arg10 : memref<125x80xi32, #tpu.memory_space<vmem>>)
      tpu.yield
    }) : () -> ()
    %mul3A_6 = arith.constant 625 : i32
    %mul3A_7 = arith.muli %arg1, %mul3A_6 : i32
    "tpu.region"() ({
      %run_scoped3A_49 = tpu.sem_alloc : memref<!tpu.dma_semaphore, #tpu.memory_space<semaphore_mem>>
      %dma_start3A_50 = arith.constant 0 : i32
      %dma_start3A_51 = tpu.memref_slice %arg14[%mul3A_7, %dma_start3A_50] : memref<10000x128xf32, #tpu.memory_space<vmem_shared>> -> memref<625x128xf32, #tpu.memory_space<vmem_shared>>
      tpu.enqueue_dma source(%arg5 : memref<625x128xf32, #tpu.memory_space<hbm>>) target(%dma_start3A_51 : memref<625x128xf32, #tpu.memory_space<vmem_shared>>) target_semaphore(%run_scoped3A_49 : memref<!tpu.dma_semaphore, #tpu.memory_space<semaphore_mem>>)
      %dma_wait3A_52 = arith.constant 0 : i32
      %dma_wait3A_53 = tpu.memref_slice %arg14[%mul3A_7, %dma_wait3A_52] : memref<10000x128xf32, #tpu.memory_space<vmem_shared>> -> memref<625x128xf32, #tpu.memory_space<vmem_shared>>
      tpu.wait_dma2 semaphore(%run_scoped3A_49 : memref<!tpu.dma_semaphore, #tpu.memory_space<semaphore_mem>>) src(%arg5 : memref<625x128xf32, #tpu.memory_space<hbm>>) dst(%dma_wait3A_53 : memref<625x128xf32, #tpu.memory_space<vmem_shared>>)
      tpu.yield
    }) : () -> ()
    "tpu.region"() ({
      %run_scoped3A_49 = tpu.sem_alloc : memref<!tpu.dma_semaphore, #tpu.memory_space<semaphore_mem>>
      tpu.enqueue_dma source(%arg6 : memref<10000xf32, #tpu.memory_space<hbm>>) target(%arg13 : memref<10000xf32, #tpu.memory_space<vmem>>) target_semaphore(%run_scoped3A_49 : memref<!tpu.dma_semaphore, #tpu.memory_space<semaphore_mem>>)
      tpu.wait_dma2 semaphore(%run_scoped3A_49 : memref<!tpu.dma_semaphore, #tpu.memory_space<semaphore_mem>>) src(%arg6 : memref<10000xf32, #tpu.memory_space<hbm>>) dst(%arg13 : memref<10000xf32, #tpu.memory_space<vmem>>)
      tpu.yield
    }) : () -> ()
    %barrier3A = arith.constant 0 : index
    tpu.barrier barrier_id(%barrier3A)
    %dma_start3A = arith.constant 0 : i32
    %dma_start3A_8 = arith.constant 0 : i32
    %dma_start3A_9 = tpu.memref_slice %arg9[%dma_start3A, %dma_start3A_8] : memref<125x80xi32, #tpu.memory_space<vmem>> -> memref<1x80xi32, #tpu.memory_space<vmem>>
    %dma_start3A_10 = tpu.memref_squeeze %dma_start3A_9 : memref<1x80xi32, #tpu.memory_space<vmem>> -> memref<80xi32, #tpu.memory_space<vmem>>
    %dma_start3A_11 = arith.constant 0 : i32
    %dma_start3A_12 = arith.constant 0 : i32
    %dma_start3A_13 = tpu.memref_slice %arg2[%dma_start3A_11, %dma_start3A_12] : memref<10000x128xf32, #tpu.memory_space<hbm>> -> memref<10000x128xf32, #tpu.memory_space<hbm>>
    tpu.enqueue_indirect_dma source(%dma_start3A_13 : memref<10000x128xf32, #tpu.memory_space<hbm>>) target(%arg11 : memref<80x128xf32, #tpu.memory_space<vmem>>) offsets(%dma_start3A_10 : memref<80xi32, #tpu.memory_space<vmem>>) semaphore(%arg15 : memref<!tpu.dma_semaphore, #tpu.memory_space<semaphore_mem>>)
    %scan3A = arith.constant 0 : i32
    %scan3A_14 = arith.constant 0 : i32
    %scan3A_15 = arith.constant 62 : i32
    %scan3A_16 = arith.addi %scan3A_14, %scan3A_15 : i32
    %scan3A_17 = arith.constant 1 : i32
    scf.for %scan3A_49 = %scan3A_14 to %scan3A_16 step %scan3A_17  : i32 {
      %mul3A_50 = arith.constant 2 : i32
      %mul3A_51 = arith.muli %mul3A_50, %scan3A_49 : i32
      %add3A_52 = arith.constant 1 : i32
      %add3A_53 = arith.addi %mul3A_51, %add3A_52 : i32
      %dma_start3A_54 = arith.constant 0 : i32
      %dma_start3A_55 = tpu.memref_slice %arg9[%add3A_53, %dma_start3A_54] : memref<125x80xi32, #tpu.memory_space<vmem>> -> memref<1x80xi32, #tpu.memory_space<vmem>>
      %dma_start3A_56 = tpu.memref_squeeze %dma_start3A_55 : memref<1x80xi32, #tpu.memory_space<vmem>> -> memref<80xi32, #tpu.memory_space<vmem>>
      %dma_start3A_57 = arith.constant 0 : i32
      %dma_start3A_58 = arith.constant 0 : i32
      %dma_start3A_59 = tpu.memref_slice %arg2[%dma_start3A_57, %dma_start3A_58] : memref<10000x128xf32, #tpu.memory_space<hbm>> -> memref<10000x128xf32, #tpu.memory_space<hbm>>
      tpu.enqueue_indirect_dma source(%dma_start3A_59 : memref<10000x128xf32, #tpu.memory_space<hbm>>) target(%arg12 : memref<80x128xf32, #tpu.memory_space<vmem>>) offsets(%dma_start3A_56 : memref<80xi32, #tpu.memory_space<vmem>>) semaphore(%arg16 : memref<!tpu.dma_semaphore, #tpu.memory_space<semaphore_mem>>)
      %dma_wait3A_60 = arith.constant 0 : i32
      %dma_wait3A_61 = tpu.memref_slice %arg9[%mul3A_51, %dma_wait3A_60] : memref<125x80xi32, #tpu.memory_space<vmem>> -> memref<1x80xi32, #tpu.memory_space<vmem>>
      %dma_wait3A_62 = tpu.memref_squeeze %dma_wait3A_61 : memref<1x80xi32, #tpu.memory_space<vmem>> -> memref<80xi32, #tpu.memory_space<vmem>>
      %dma_wait3A_63 = arith.constant 0 : i32
      %dma_wait3A_64 = arith.constant 0 : i32
      %dma_wait3A_65 = tpu.memref_slice %arg2[%dma_wait3A_63, %dma_wait3A_64] : memref<10000x128xf32, #tpu.memory_space<hbm>> -> memref<10000x128xf32, #tpu.memory_space<hbm>>
      tpu.wait_indirect_dma semaphore(%arg15 : memref<!tpu.dma_semaphore, #tpu.memory_space<semaphore_mem>>) src(%dma_wait3A_65 : memref<10000x128xf32, #tpu.memory_space<hbm>>) dst(%arg11 : memref<80x128xf32, #tpu.memory_space<vmem>>)
      "tpu.region"() ({
        %run_scoped3A_110 = tpu.sem_alloc : memref<!tpu.dma_semaphore, #tpu.memory_space<semaphore_mem>>
        %dma_start3A_111 = arith.constant 0 : i32
        %dma_start3A_112 = tpu.memref_slice %arg10[%mul3A_51, %dma_start3A_111] : memref<125x80xi32, #tpu.memory_space<vmem>> -> memref<1x80xi32, #tpu.memory_space<vmem>>
        %dma_start3A_113 = tpu.memref_squeeze %dma_start3A_112 : memref<1x80xi32, #tpu.memory_space<vmem>> -> memref<80xi32, #tpu.memory_space<vmem>>
        %dma_start3A_114 = arith.constant 0 : i32
        %dma_start3A_115 = arith.constant 0 : i32
        %dma_start3A_116 = tpu.memref_slice %arg14[%dma_start3A_114, %dma_start3A_115] : memref<10000x128xf32, #tpu.memory_space<vmem_shared>> -> memref<10000x128xf32, #tpu.memory_space<vmem_shared>>
        tpu.enqueue_indirect_dma source(%arg11 : memref<80x128xf32, #tpu.memory_space<vmem>>) target(%dma_start3A_116 : memref<10000x128xf32, #tpu.memory_space<vmem_shared>>) offsets(%dma_start3A_113 : memref<80xi32, #tpu.memory_space<vmem>>) semaphore(%run_scoped3A_110 : memref<!tpu.dma_semaphore, #tpu.memory_space<semaphore_mem>>) {add = true}
        %dma_wait3A_117 = arith.constant 0 : i32
        %dma_wait3A_118 = tpu.memref_slice %arg10[%mul3A_51, %dma_wait3A_117] : memref<125x80xi32, #tpu.memory_space<vmem>> -> memref<1x80xi32, #tpu.memory_space<vmem>>
        %dma_wait3A_119 = tpu.memref_squeeze %dma_wait3A_118 : memref<1x80xi32, #tpu.memory_space<vmem>> -> memref<80xi32, #tpu.memory_space<vmem>>
        %dma_wait3A_120 = arith.constant 0 : i32
        %dma_wait3A_121 = arith.constant 0 : i32
        %dma_wait3A_122 = tpu.memref_slice %arg14[%dma_wait3A_120, %dma_wait3A_121] : memref<10000x128xf32, #tpu.memory_space<vmem_shared>> -> memref<10000x128xf32, #tpu.memory_space<vmem_shared>>
        tpu.wait_indirect_dma semaphore(%run_scoped3A_110 : memref<!tpu.dma_semaphore, #tpu.memory_space<semaphore_mem>>) src(%arg11 : memref<80x128xf32, #tpu.memory_space<vmem>>) dst(%dma_wait3A_122 : memref<10000x128xf32, #tpu.memory_space<vmem_shared>>)
        tpu.yield
      }) : () -> ()
      %get3A_66 = arith.index_cast %mul3A_51 : i32 to index
      %get3A_67 = arith.constant 0 : index
      %get3A_68 = tpu.vector_load %arg10[%get3A_66, %get3A_67] {strides = array<i32>} : memref<125x80xi32, #tpu.memory_space<vmem>>, vector<16xi32>,
      tpu.vector_store_idx %arg13[%get3A_68], %broadcast_in_dim3A_1 {add = true} : memref<10000xf32, #tpu.memory_space<vmem>>[vector<16xi32>], vector<16xf32>,
      %get3A_69 = arith.index_cast %mul3A_51 : i32 to index
      %get3A_70 = arith.constant 16 : index
      %get3A_71 = tpu.vector_load %arg10[%get3A_69, %get3A_70] {strides = array<i32>} : memref<125x80xi32, #tpu.memory_space<vmem>>, vector<16xi32>,
      tpu.vector_store_idx %arg13[%get3A_71], %broadcast_in_dim3A_1 {add = true} : memref<10000xf32, #tpu.memory_space<vmem>>[vector<16xi32>], vector<16xf32>,
      %get3A_72 = arith.index_cast %mul3A_51 : i32 to index
      %get3A_73 = arith.constant 32 : index
      %get3A_74 = tpu.vector_load %arg10[%get3A_72, %get3A_73] {strides = array<i32>} : memref<125x80xi32, #tpu.memory_space<vmem>>, vector<16xi32>,
      tpu.vector_store_idx %arg13[%get3A_74], %broadcast_in_dim3A_1 {add = true} : memref<10000xf32, #tpu.memory_space<vmem>>[vector<16xi32>], vector<16xf32>,
      %get3A_75 = arith.index_cast %mul3A_51 : i32 to index
      %get3A_76 = arith.constant 48 : index
      %get3A_77 = tpu.vector_load %arg10[%get3A_75, %get3A_76] {strides = array<i32>} : memref<125x80xi32, #tpu.memory_space<vmem>>, vector<16xi32>,
      tpu.vector_store_idx %arg13[%get3A_77], %broadcast_in_dim3A_1 {add = true} : memref<10000xf32, #tpu.memory_space<vmem>>[vector<16xi32>], vector<16xf32>,
      %get3A_78 = arith.index_cast %mul3A_51 : i32 to index
      %get3A_79 = arith.constant 64 : index
      %get3A_80 = tpu.vector_load %arg10[%get3A_78, %get3A_79] {strides = array<i32>} : memref<125x80xi32, #tpu.memory_space<vmem>>, vector<16xi32>,
      tpu.vector_store_idx %arg13[%get3A_80], %broadcast_in_dim3A_1 {add = true} : memref<10000xf32, #tpu.memory_space<vmem>>[vector<16xi32>], vector<16xf32>,
      %add3A_81 = arith.constant 2 : i32
      %add3A_82 = arith.addi %mul3A_51, %add3A_81 : i32
      %dma_start3A_83 = arith.constant 0 : i32
      %dma_start3A_84 = tpu.memref_slice %arg9[%add3A_82, %dma_start3A_83] : memref<125x80xi32, #tpu.memory_space<vmem>> -> memref<1x80xi32, #tpu.memory_space<vmem>>
      %dma_start3A_85 = tpu.memref_squeeze %dma_start3A_84 : memref<1x80xi32, #tpu.memory_space<vmem>> -> memref<80xi32, #tpu.memory_space<vmem>>
      %dma_start3A_86 = arith.constant 0 : i32
      %dma_start3A_87 = arith.constant 0 : i32
      %dma_start3A_88 = tpu.memref_slice %arg2[%dma_start3A_86, %dma_start3A_87] : memref<10000x128xf32, #tpu.memory_space<hbm>> -> memref<10000x128xf32, #tpu.memory_space<hbm>>
      tpu.enqueue_indirect_dma source(%dma_start3A_88 : memref<10000x128xf32, #tpu.memory_space<hbm>>) target(%arg11 : memref<80x128xf32, #tpu.memory_space<vmem>>) offsets(%dma_start3A_85 : memref<80xi32, #tpu.memory_space<vmem>>) semaphore(%arg15 : memref<!tpu.dma_semaphore, #tpu.memory_space<semaphore_mem>>)
      %dma_wait3A_89 = arith.constant 0 : i32
      %dma_wait3A_90 = tpu.memref_slice %arg9[%add3A_53, %dma_wait3A_89] : memref<125x80xi32, #tpu.memory_space<vmem>> -> memref<1x80xi32, #tpu.memory_space<vmem>>
      %dma_wait3A_91 = tpu.memref_squeeze %dma_wait3A_90 : memref<1x80xi32, #tpu.memory_space<vmem>> -> memref<80xi32, #tpu.memory_space<vmem>>
      %dma_wait3A_92 = arith.constant 0 : i32
      %dma_wait3A_93 = arith.constant 0 : i32
      %dma_wait3A_94 = tpu.memref_slice %arg2[%dma_wait3A_92, %dma_wait3A_93] : memref<10000x128xf32, #tpu.memory_space<hbm>> -> memref<10000x128xf32, #tpu.memory_space<hbm>>
      tpu.wait_indirect_dma semaphore(%arg16 : memref<!tpu.dma_semaphore, #tpu.memory_space<semaphore_mem>>) src(%dma_wait3A_94 : memref<10000x128xf32, #tpu.memory_space<hbm>>) dst(%arg12 : memref<80x128xf32, #tpu.memory_space<vmem>>)
      "tpu.region"() ({
        %run_scoped3A_110 = tpu.sem_alloc : memref<!tpu.dma_semaphore, #tpu.memory_space<semaphore_mem>>
        %dma_start3A_111 = arith.constant 0 : i32
        %dma_start3A_112 = tpu.memref_slice %arg10[%add3A_53, %dma_start3A_111] : memref<125x80xi32, #tpu.memory_space<vmem>> -> memref<1x80xi32, #tpu.memory_space<vmem>>
        %dma_start3A_113 = tpu.memref_squeeze %dma_start3A_112 : memref<1x80xi32, #tpu.memory_space<vmem>> -> memref<80xi32, #tpu.memory_space<vmem>>
        %dma_start3A_114 = arith.constant 0 : i32
        %dma_start3A_115 = arith.constant 0 : i32
        %dma_start3A_116 = tpu.memref_slice %arg14[%dma_start3A_114, %dma_start3A_115] : memref<10000x128xf32, #tpu.memory_space<vmem_shared>> -> memref<10000x128xf32, #tpu.memory_space<vmem_shared>>
        tpu.enqueue_indirect_dma source(%arg12 : memref<80x128xf32, #tpu.memory_space<vmem>>) target(%dma_start3A_116 : memref<10000x128xf32, #tpu.memory_space<vmem_shared>>) offsets(%dma_start3A_113 : memref<80xi32, #tpu.memory_space<vmem>>) semaphore(%run_scoped3A_110 : memref<!tpu.dma_semaphore, #tpu.memory_space<semaphore_mem>>) {add = true}
        %dma_wait3A_117 = arith.constant 0 : i32
        %dma_wait3A_118 = tpu.memref_slice %arg10[%add3A_53, %dma_wait3A_117] : memref<125x80xi32, #tpu.memory_space<vmem>> -> memref<1x80xi32, #tpu.memory_space<vmem>>
        %dma_wait3A_119 = tpu.memref_squeeze %dma_wait3A_118 : memref<1x80xi32, #tpu.memory_space<vmem>> -> memref<80xi32, #tpu.memory_space<vmem>>
        %dma_wait3A_120 = arith.constant 0 : i32
        %dma_wait3A_121 = arith.constant 0 : i32
        %dma_wait3A_122 = tpu.memref_slice %arg14[%dma_wait3A_120, %dma_wait3A_121] : memref<10000x128xf32, #tpu.memory_space<vmem_shared>> -> memref<10000x128xf32, #tpu.memory_space<vmem_shared>>
        tpu.wait_indirect_dma semaphore(%run_scoped3A_110 : memref<!tpu.dma_semaphore, #tpu.memory_space<semaphore_mem>>) src(%arg12 : memref<80x128xf32, #tpu.memory_space<vmem>>) dst(%dma_wait3A_122 : memref<10000x128xf32, #tpu.memory_space<vmem_shared>>)
        tpu.yield
      }) : () -> ()
      %get3A_95 = arith.index_cast %add3A_53 : i32 to index
      %get3A_96 = arith.constant 0 : index
      %get3A_97 = tpu.vector_load %arg10[%get3A_95, %get3A_96] {strides = array<i32>} : memref<125x80xi32, #tpu.memory_space<vmem>>, vector<16xi32>,
      tpu.vector_store_idx %arg13[%get3A_97], %broadcast_in_dim3A_1 {add = true} : memref<10000xf32, #tpu.memory_space<vmem>>[vector<16xi32>], vector<16xf32>,
      %get3A_98 = arith.index_cast %add3A_53 : i32 to index
      %get3A_99 = arith.constant 16 : index
      %get3A_100 = tpu.vector_load %arg10[%get3A_98, %get3A_99] {strides = array<i32>} : memref<125x80xi32, #tpu.memory_space<vmem>>, vector<16xi32>,
      tpu.vector_store_idx %arg13[%get3A_100], %broadcast_in_dim3A_1 {add = true} : memref<10000xf32, #tpu.memory_space<vmem>>[vector<16xi32>], vector<16xf32>,
      %get3A_101 = arith.index_cast %add3A_53 : i32 to index
      %get3A_102 = arith.constant 32 : index
      %get3A_103 = tpu.vector_load %arg10[%get3A_101, %get3A_102] {strides = array<i32>} : memref<125x80xi32, #tpu.memory_space<vmem>>, vector<16xi32>,
      tpu.vector_store_idx %arg13[%get3A_103], %broadcast_in_dim3A_1 {add = true} : memref<10000xf32, #tpu.memory_space<vmem>>[vector<16xi32>], vector<16xf32>,
      %get3A_104 = arith.index_cast %add3A_53 : i32 to index
      %get3A_105 = arith.constant 48 : index
      %get3A_106 = tpu.vector_load %arg10[%get3A_104, %get3A_105] {strides = array<i32>} : memref<125x80xi32, #tpu.memory_space<vmem>>, vector<16xi32>,
      tpu.vector_store_idx %arg13[%get3A_106], %broadcast_in_dim3A_1 {add = true} : memref<10000xf32, #tpu.memory_space<vmem>>[vector<16xi32>], vector<16xf32>,
      %get3A_107 = arith.index_cast %add3A_53 : i32 to index
      %get3A_108 = arith.constant 64 : index
      %get3A_109 = tpu.vector_load %arg10[%get3A_107, %get3A_108] {strides = array<i32>} : memref<125x80xi32, #tpu.memory_space<vmem>>, vector<16xi32>,
      tpu.vector_store_idx %arg13[%get3A_109], %broadcast_in_dim3A_1 {add = true} : memref<10000xf32, #tpu.memory_space<vmem>>[vector<16xi32>], vector<16xf32>,
    }
    %scan3A_18 = arith.constant 62 : i32
    %dma_wait3A = arith.constant 124 : i32
    %dma_wait3A_19 = arith.constant 0 : i32
    %dma_wait3A_20 = tpu.memref_slice %arg9[%dma_wait3A, %dma_wait3A_19] : memref<125x80xi32, #tpu.memory_space<vmem>> -> memref<1x80xi32, #tpu.memory_space<vmem>>
    %dma_wait3A_21 = tpu.memref_squeeze %dma_wait3A_20 : memref<1x80xi32, #tpu.memory_space<vmem>> -> memref<80xi32, #tpu.memory_space<vmem>>
    %dma_wait3A_22 = arith.constant 0 : i32
    %dma_wait3A_23 = arith.constant 0 : i32
    %dma_wait3A_24 = tpu.memref_slice %arg2[%dma_wait3A_22, %dma_wait3A_23] : memref<10000x128xf32, #tpu.memory_space<hbm>> -> memref<10000x128xf32, #tpu.memory_space<hbm>>
    tpu.wait_indirect_dma semaphore(%arg15 : memref<!tpu.dma_semaphore, #tpu.memory_space<semaphore_mem>>) src(%dma_wait3A_24 : memref<10000x128xf32, #tpu.memory_space<hbm>>) dst(%arg11 : memref<80x128xf32, #tpu.memory_space<vmem>>)
    %run_scoped3A = arith.constant 124 : i32
    "tpu.region"() ({
      %run_scoped3A_49 = tpu.sem_alloc : memref<!tpu.dma_semaphore, #tpu.memory_space<semaphore_mem>>
      %dma_start3A_50 = arith.constant 0 : i32
      %dma_start3A_51 = tpu.memref_slice %arg10[%run_scoped3A, %dma_start3A_50] : memref<125x80xi32, #tpu.memory_space<vmem>> -> memref<1x80xi32, #tpu.memory_space<vmem>>
      %dma_start3A_52 = tpu.memref_squeeze %dma_start3A_51 : memref<1x80xi32, #tpu.memory_space<vmem>> -> memref<80xi32, #tpu.memory_space<vmem>>
      %dma_start3A_53 = arith.constant 0 : i32
      %dma_start3A_54 = arith.constant 0 : i32
      %dma_start3A_55 = tpu.memref_slice %arg14[%dma_start3A_53, %dma_start3A_54] : memref<10000x128xf32, #tpu.memory_space<vmem_shared>> -> memref<10000x128xf32, #tpu.memory_space<vmem_shared>>
      tpu.enqueue_indirect_dma source(%arg11 : memref<80x128xf32, #tpu.memory_space<vmem>>) target(%dma_start3A_55 : memref<10000x128xf32, #tpu.memory_space<vmem_shared>>) offsets(%dma_start3A_52 : memref<80xi32, #tpu.memory_space<vmem>>) semaphore(%run_scoped3A_49 : memref<!tpu.dma_semaphore, #tpu.memory_space<semaphore_mem>>) {add = true}
      %dma_wait3A_56 = arith.constant 0 : i32
      %dma_wait3A_57 = tpu.memref_slice %arg10[%run_scoped3A, %dma_wait3A_56] : memref<125x80xi32, #tpu.memory_space<vmem>> -> memref<1x80xi32, #tpu.memory_space<vmem>>
      %dma_wait3A_58 = tpu.memref_squeeze %dma_wait3A_57 : memref<1x80xi32, #tpu.memory_space<vmem>> -> memref<80xi32, #tpu.memory_space<vmem>>
      %dma_wait3A_59 = arith.constant 0 : i32
      %dma_wait3A_60 = arith.constant 0 : i32
      %dma_wait3A_61 = tpu.memref_slice %arg14[%dma_wait3A_59, %dma_wait3A_60] : memref<10000x128xf32, #tpu.memory_space<vmem_shared>> -> memref<10000x128xf32, #tpu.memory_space<vmem_shared>>
      tpu.wait_indirect_dma semaphore(%run_scoped3A_49 : memref<!tpu.dma_semaphore, #tpu.memory_space<semaphore_mem>>) src(%arg11 : memref<80x128xf32, #tpu.memory_space<vmem>>) dst(%dma_wait3A_61 : memref<10000x128xf32, #tpu.memory_space<vmem_shared>>)
      tpu.yield
    }) : () -> ()
    %get3A = arith.constant 124 : i32
    %get3A_25 = arith.index_cast %get3A : i32 to index
    %get3A_26 = arith.constant 0 : index
    %get3A_27 = tpu.vector_load %arg10[%get3A_25, %get3A_26] {strides = array<i32>} : memref<125x80xi32, #tpu.memory_space<vmem>>, vector<16xi32>,
    tpu.vector_store_idx %arg13[%get3A_27], %broadcast_in_dim3A_1 {add = true} : memref<10000xf32, #tpu.memory_space<vmem>>[vector<16xi32>], vector<16xf32>,
    %get3A_28 = arith.constant 124 : i32
    %get3A_29 = arith.index_cast %get3A_28 : i32 to index
    %get3A_30 = arith.constant 16 : index
    %get3A_31 = tpu.vector_load %arg10[%get3A_29, %get3A_30] {strides = array<i32>} : memref<125x80xi32, #tpu.memory_space<vmem>>, vector<16xi32>,
    tpu.vector_store_idx %arg13[%get3A_31], %broadcast_in_dim3A_1 {add = true} : memref<10000xf32, #tpu.memory_space<vmem>>[vector<16xi32>], vector<16xf32>,
    %get3A_32 = arith.constant 124 : i32
    %get3A_33 = arith.index_cast %get3A_32 : i32 to index
    %get3A_34 = arith.constant 32 : index
    %get3A_35 = tpu.vector_load %arg10[%get3A_33, %get3A_34] {strides = array<i32>} : memref<125x80xi32, #tpu.memory_space<vmem>>, vector<16xi32>,
    tpu.vector_store_idx %arg13[%get3A_35], %broadcast_in_dim3A_1 {add = true} : memref<10000xf32, #tpu.memory_space<vmem>>[vector<16xi32>], vector<16xf32>,
    %get3A_36 = arith.constant 124 : i32
    %get3A_37 = arith.index_cast %get3A_36 : i32 to index
    %get3A_38 = arith.constant 48 : index
    %get3A_39 = tpu.vector_load %arg10[%get3A_37, %get3A_38] {strides = array<i32>} : memref<125x80xi32, #tpu.memory_space<vmem>>, vector<16xi32>,
    tpu.vector_store_idx %arg13[%get3A_39], %broadcast_in_dim3A_1 {add = true} : memref<10000xf32, #tpu.memory_space<vmem>>[vector<16xi32>], vector<16xf32>,
    %get3A_40 = arith.constant 124 : i32
    %get3A_41 = arith.index_cast %get3A_40 : i32 to index
    %get3A_42 = arith.constant 64 : index
    %get3A_43 = tpu.vector_load %arg10[%get3A_41, %get3A_42] {strides = array<i32>} : memref<125x80xi32, #tpu.memory_space<vmem>>, vector<16xi32>,
    tpu.vector_store_idx %arg13[%get3A_43], %broadcast_in_dim3A_1 {add = true} : memref<10000xf32, #tpu.memory_space<vmem>>[vector<16xi32>], vector<16xf32>,
    %barrier3A_44 = arith.constant 0 : index
    tpu.barrier barrier_id(%barrier3A_44)
    %mul3A_45 = arith.constant 625 : i32
    %mul3A_46 = arith.muli %arg1, %mul3A_45 : i32
    %mul3A_47 = arith.constant 625 : i32
    %mul3A_48 = arith.muli %arg1, %mul3A_47 : i32
    "tpu.region"() ({
      %run_scoped3A_49 = tpu.sem_alloc : memref<!tpu.dma_semaphore, #tpu.memory_space<semaphore_mem>>
      %dma_start3A_50 = arith.constant 0 : i32
      %dma_start3A_51 = tpu.memref_slice %arg7[%arg0, %mul3A_48, %dma_start3A_50] : memref<2x10000x128xf32, #tpu.memory_space<hbm>> -> memref<1x625x128xf32, #tpu.memory_space<hbm>>
      %dma_start3A_52 = tpu.memref_squeeze %dma_start3A_51 : memref<1x625x128xf32, #tpu.memory_space<hbm>> -> memref<625x128xf32, #tpu.memory_space<hbm>>
      %dma_start3A_53 = arith.constant 0 : i32
      %dma_start3A_54 = tpu.memref_slice %arg14[%mul3A_46, %dma_start3A_53] : memref<10000x128xf32, #tpu.memory_space<vmem_shared>> -> memref<625x128xf32, #tpu.memory_space<vmem_shared>>
      tpu.enqueue_dma source(%dma_start3A_54 : memref<625x128xf32, #tpu.memory_space<vmem_shared>>) target(%dma_start3A_52 : memref<625x128xf32, #tpu.memory_space<hbm>>) target_semaphore(%run_scoped3A_49 : memref<!tpu.dma_semaphore, #tpu.memory_space<semaphore_mem>>)
      %dma_wait3A_55 = arith.constant 0 : i32
      %dma_wait3A_56 = tpu.memref_slice %arg7[%arg0, %mul3A_48, %dma_wait3A_55] : memref<2x10000x128xf32, #tpu.memory_space<hbm>> -> memref<1x625x128xf32, #tpu.memory_space<hbm>>
      %dma_wait3A_57 = tpu.memref_squeeze %dma_wait3A_56 : memref<1x625x128xf32, #tpu.memory_space<hbm>> -> memref<625x128xf32, #tpu.memory_space<hbm>>
      %dma_wait3A_58 = arith.constant 0 : i32
      %dma_wait3A_59 = tpu.memref_slice %arg14[%mul3A_46, %dma_wait3A_58] : memref<10000x128xf32, #tpu.memory_space<vmem_shared>> -> memref<625x128xf32, #tpu.memory_space<vmem_shared>>
      tpu.wait_dma2 semaphore(%run_scoped3A_49 : memref<!tpu.dma_semaphore, #tpu.memory_space<semaphore_mem>>) src(%dma_wait3A_59 : memref<625x128xf32, #tpu.memory_space<vmem_shared>>) dst(%dma_wait3A_57 : memref<625x128xf32, #tpu.memory_space<hbm>>)
      tpu.yield
    }) : () -> ()
    "tpu.region"() ({
      %run_scoped3A_49 = tpu.sem_alloc : memref<!tpu.dma_semaphore, #tpu.memory_space<semaphore_mem>>
      %dma_start3A_50 = arith.constant 0 : i32
      %dma_start3A_51 = tpu.memref_slice %arg8[%add3A, %dma_start3A_50] : memref<32x10000xf32, #tpu.memory_space<hbm>> -> memref<1x10000xf32, #tpu.memory_space<hbm>>
      %dma_start3A_52 = tpu.memref_squeeze %dma_start3A_51 : memref<1x10000xf32, #tpu.memory_space<hbm>> -> memref<10000xf32, #tpu.memory_space<hbm>>
      %dma_start3A_53 = arith.constant 0 : i32
      %dma_start3A_54 = tpu.memref_slice %arg8[%add3A, %dma_start3A_53] : memref<32x10000xf32, #tpu.memory_space<hbm>> -> memref<1x10000xf32, #tpu.memory_space<hbm>>
      %dma_start3A_55 = tpu.memref_squeeze %dma_start3A_54 : memref<1x10000xf32, #tpu.memory_space<hbm>> -> memref<10000xf32, #tpu.memory_space<hbm>>
      tpu.enqueue_dma source(%arg13 : memref<10000xf32, #tpu.memory_space<vmem>>) target(%dma_start3A_55 : memref<10000xf32, #tpu.memory_space<hbm>>) target_semaphore(%run_scoped3A_49 : memref<!tpu.dma_semaphore, #tpu.memory_space<semaphore_mem>>)
      %dma_wait3A_56 = arith.constant 0 : i32
      %dma_wait3A_57 = tpu.memref_slice %arg8[%add3A, %dma_wait3A_56] : memref<32x10000xf32, #tpu.memory_space<hbm>> -> memref<1x10000xf32, #tpu.memory_space<hbm>>
      %dma_wait3A_58 = tpu.memref_squeeze %dma_wait3A_57 : memref<1x10000xf32, #tpu.memory_space<hbm>> -> memref<10000xf32, #tpu.memory_space<hbm>>
      %dma_wait3A_59 = arith.constant 0 : i32
      %dma_wait3A_60 = tpu.memref_slice %arg8[%add3A, %dma_wait3A_59] : memref<32x10000xf32, #tpu.memory_space<hbm>> -> memref<1x10000xf32, #tpu.memory_space<hbm>>
      %dma_wait3A_61 = tpu.memref_squeeze %dma_wait3A_60 : memref<1x10000xf32, #tpu.memory_space<hbm>> -> memref<10000xf32, #tpu.memory_space<hbm>>
      tpu.wait_dma2 semaphore(%run_scoped3A_49 : memref<!tpu.dma_semaphore, #tpu.memory_space<semaphore_mem>>) src(%arg13 : memref<10000xf32, #tpu.memory_space<vmem>>) dst(%dma_wait3A_61 : memref<10000xf32, #tpu.memory_space<hbm>>)
      tpu.yield
    }) : () -> ()
    return
  }
}

module attributes {stable_mosaic.version = 14 : i64} {
  func.func @_stage_b_body(%arg0: i32, %arg1: memref<2x1280x128xf32, #tpu.memory_space<vmem>>, %arg2: memref<32x1280xf32, #tpu.memory_space<vmem>>, %arg3: memref<1280x128xf32, #tpu.memory_space<vmem>>, %arg4: memref<128x128xf32, #tpu.memory_space<vmem>>, %arg5: memref<1x128xf32, #tpu.memory_space<vmem>>, %arg6: memref<128x128xf32, #tpu.memory_space<vmem>>, %arg7: memref<48x128xf32, #tpu.memory_space<vmem>>, %arg8: memref<1280x128xf32, #tpu.memory_space<vmem>>, %arg9: memref<1280x48xf32, #tpu.memory_space<vmem>>) attributes {dimension_semantics = [#tpu.dimension_semantics<arbitrary>], iteration_bounds = array<i64: 8>, scalar_prefetch = 0 : i64, scratch_operands = 0 : i64, tpu.core_type = #tpu.core_type<tc>, window_params = [{transform_indices = @transform_0, window_bounds = array<i64: 2, 1280, 128>}, {transform_indices = @transform_1, window_bounds = array<i64: 32, 1280>}, {transform_indices = @transform_2, window_bounds = array<i64: 1280, 128>}, {pipeline_mode = #tpu.pipeline_mode<synchronous>, transform_indices = @transform_3, window_bounds = array<i64: 128, 128>}, {pipeline_mode = #tpu.pipeline_mode<synchronous>, transform_indices = @transform_4, window_bounds = array<i64: 1, 128>}, {pipeline_mode = #tpu.pipeline_mode<synchronous>, transform_indices = @transform_5, window_bounds = array<i64: 128, 128>}, {pipeline_mode = #tpu.pipeline_mode<synchronous>, transform_indices = @transform_6, window_bounds = array<i64: 48, 128>}, {transform_indices = @transform_7, window_bounds = array<i64: 1280, 128>}, {transform_indices = @transform_8, window_bounds = array<i64: 1280, 48>}]} {
    %get3A = arith.constant 0 : index
    %get3A_0 = arith.constant 0 : index
    %get3A_1 = vector.load %arg2[%get3A, %get3A_0] : memref<32x1280xf32, #tpu.memory_space<vmem>>, vector<32x1280xf32>
    %reduce_sum3A = arith.constant dense<0.000000e+00> : vector<1280xf32>
    %reduce_sum3A_2 = vector.multi_reduction <add>, %get3A_1, %reduce_sum3A [0] : vector<32x1280xf32> to vector<1280xf32>
    %max3A = arith.constant 1.000000e+00 : f32
    %max3A_3 = vector.broadcast %max3A : f32 to vector<1280xf32>
    %max3A_4 = arith.maximumf %reduce_sum3A_2, %max3A_3 : vector<1280xf32>
    %broadcast_in_dim3A = vector.shape_cast %max3A_4 : vector<1280xf32> to vector<1280x1xf32>
    %get3A_5 = arith.constant 0 : index
    %get3A_6 = arith.constant 0 : index
    %get3A_7 = arith.constant 0 : index
    %get3A_8 = vector.load %arg1[%get3A_5, %get3A_6, %get3A_7] : memref<2x1280x128xf32, #tpu.memory_space<vmem>>, vector<1x1280x128xf32>
    %get3A_9 = vector.shape_cast %get3A_8 : vector<1x1280x128xf32> to vector<1280x128xf32>
    %get3A_10 = arith.constant 1 : index
    %get3A_11 = arith.constant 0 : index
    %get3A_12 = arith.constant 0 : index
    %get3A_13 = vector.load %arg1[%get3A_10, %get3A_11, %get3A_12] : memref<2x1280x128xf32, #tpu.memory_space<vmem>>, vector<1x1280x128xf32>
    %get3A_14 = vector.shape_cast %get3A_13 : vector<1x1280x128xf32> to vector<1280x128xf32>
    %add3A = arith.addf %get3A_9, %get3A_14 : vector<1280x128xf32>
    %div3A = vector.broadcast %broadcast_in_dim3A : vector<1280x1xf32> to vector<1280x128xf32>
    %div3A_15 = arith.divf %add3A, %div3A : vector<1280x128xf32>
    %get3A_16 = arith.constant 0 : index
    %get3A_17 = arith.constant 0 : index
    %get3A_18 = vector.load %arg4[%get3A_16, %get3A_17] : memref<128x128xf32, #tpu.memory_space<vmem>>, vector<128x128xf32>
    %dot_general3A = arith.constant dense<0.000000e+00> : vector<1280x128xf32>
    %dot_general3A_19 = tpu.matmul %div3A_15, %get3A_18, %dot_general3A {dimension_numbers = #tpu.dot_dimension_numbers<[1], [1], [0], [0], [0, 0, 1, 0], [], []>, transpose_lhs_hint = false} : vector<1280x128xf32>, vector<128x128xf32>, vector<1280x128xf32> -> vector<1280x128xf32>
    %get3A_20 = arith.constant 0 : index
    %get3A_21 = arith.constant 0 : index
    %get3A_22 = vector.load %arg3[%get3A_20, %get3A_21] : memref<1280x128xf32, #tpu.memory_space<vmem>>, vector<1280x128xf32>
    %get3A_23 = arith.constant 0 : index
    %get3A_24 = arith.constant 0 : index
    %get3A_25 = vector.load %arg6[%get3A_23, %get3A_24] : memref<128x128xf32, #tpu.memory_space<vmem>>, vector<128x128xf32>
    %dot_general3A_26 = arith.constant dense<0.000000e+00> : vector<1280x128xf32>
    %dot_general3A_27 = tpu.matmul %get3A_22, %get3A_25, %dot_general3A_26 {dimension_numbers = #tpu.dot_dimension_numbers<[1], [1], [0], [0], [0, 0, 1, 0], [], []>, transpose_lhs_hint = false} : vector<1280x128xf32>, vector<128x128xf32>, vector<1280x128xf32> -> vector<1280x128xf32>
    %add3A_28 = arith.addf %dot_general3A_19, %dot_general3A_27 : vector<1280x128xf32>
    %get3A_29 = arith.constant 0 : index
    %get3A_30 = arith.constant 0 : index
    %get3A_31 = vector.load %arg5[%get3A_29, %get3A_30] : memref<1x128xf32, #tpu.memory_space<vmem>>, vector<1x128xf32>
    %add3A_32 = vector.broadcast %get3A_31 : vector<1x128xf32> to vector<1280x128xf32>
    %add3A_33 = arith.addf %add3A_28, %add3A_32 : vector<1280x128xf32>
    %max3A_34 = arith.constant 0.000000e+00 : f32
    %max3A_35 = vector.broadcast %max3A_34 : f32 to vector<1280x128xf32>
    %max3A_36 = arith.maximumf %add3A_33, %max3A_35 : vector<1280x128xf32>
    %swap3A = arith.constant 0 : index
    %swap3A_37 = arith.constant 0 : index
    %swap3A_38 = vector.load %arg8[%swap3A, %swap3A_37] : memref<1280x128xf32, #tpu.memory_space<vmem>>, vector<1280x128xf32>
    tpu.vector_store %arg8[%swap3A, %swap3A_37], %max3A_36 {strides = array<i32>} : memref<1280x128xf32, #tpu.memory_space<vmem>>, vector<1280x128xf32>,
    %get3A_39 = arith.constant 0 : index
    %get3A_40 = arith.constant 0 : index
    %get3A_41 = vector.load %arg7[%get3A_39, %get3A_40] : memref<48x128xf32, #tpu.memory_space<vmem>>, vector<48x128xf32>
    %dot_general3A_42 = arith.constant dense<0.000000e+00> : vector<1280x48xf32>
    %dot_general3A_43 = tpu.matmul %max3A_36, %get3A_41, %dot_general3A_42 {dimension_numbers = #tpu.dot_dimension_numbers<[1], [1], [0], [0], [0, 0, 1, 0], [], []>, transpose_lhs_hint = false} : vector<1280x128xf32>, vector<48x128xf32>, vector<1280x48xf32> -> vector<1280x48xf32>
    %swap3A_44 = arith.constant 0 : index
    %swap3A_45 = arith.constant 0 : index
    %swap3A_46 = vector.load %arg9[%swap3A_44, %swap3A_45] : memref<1280x48xf32, #tpu.memory_space<vmem>>, vector<1280x48xf32>
    tpu.vector_store %arg9[%swap3A_44, %swap3A_45], %dot_general3A_43 {strides = array<i32>} : memref<1280x48xf32, #tpu.memory_space<vmem>>, vector<1280x48xf32>,
    return
  }
  func.func @transform_0(%arg0: i32) -> (i32, i32, i32) {
    %c0_i32 = arith.constant 0 : i32
    %c0_i32_0 = arith.constant 0 : i32
    %c0_i32_1 = arith.constant 0 : i32
    return %c0_i32, %arg0, %c0_i32_0 : i32, i32, i32
  }
  func.func @transform_1(%arg0: i32) -> (i32, i32) {
    %c0_i32 = arith.constant 0 : i32
    %c0_i32_0 = arith.constant 0 : i32
    return %c0_i32, %arg0 : i32, i32
  }
  func.func @transform_2(%arg0: i32) -> (i32, i32) {
    %c0_i32 = arith.constant 0 : i32
    %c0_i32_0 = arith.constant 0 : i32
    return %arg0, %c0_i32 : i32, i32
  }
  func.func @transform_3(%arg0: i32) -> (i32, i32) {
    %c0_i32 = arith.constant 0 : i32
    %c0_i32_0 = arith.constant 0 : i32
    %c0_i32_1 = arith.constant 0 : i32
    return %c0_i32, %c0_i32_0 : i32, i32
  }
  func.func @transform_4(%arg0: i32) -> (i32, i32) {
    %c0_i32 = arith.constant 0 : i32
    %c0_i32_0 = arith.constant 0 : i32
    %c0_i32_1 = arith.constant 0 : i32
    return %c0_i32, %c0_i32_0 : i32, i32
  }
  func.func @transform_5(%arg0: i32) -> (i32, i32) {
    %c0_i32 = arith.constant 0 : i32
    %c0_i32_0 = arith.constant 0 : i32
    %c0_i32_1 = arith.constant 0 : i32
    return %c0_i32, %c0_i32_0 : i32, i32
  }
  func.func @transform_6(%arg0: i32) -> (i32, i32) {
    %c0_i32 = arith.constant 0 : i32
    %c0_i32_0 = arith.constant 0 : i32
    %c0_i32_1 = arith.constant 0 : i32
    return %c0_i32, %c0_i32_0 : i32, i32
  }
  func.func @transform_7(%arg0: i32) -> (i32, i32) {
    %c0_i32 = arith.constant 0 : i32
    %c0_i32_0 = arith.constant 0 : i32
    return %arg0, %c0_i32 : i32, i32
  }
  func.func @transform_8(%arg0: i32) -> (i32, i32) {
    %c0_i32 = arith.constant 0 : i32
    %c0_i32_0 = arith.constant 0 : i32
    return %arg0, %c0_i32 : i32, i32
  }
}

module attributes {stable_mosaic.version = 14 : i64} {
  func.func @_stage_c_body(%arg0: i32, %arg1: memref<2x1280x48xf32, #tpu.memory_space<vmem>>, %arg2: memref<32x1280xf32, #tpu.memory_space<vmem>>, %arg3: memref<1280x128xf32, #tpu.memory_space<vmem>>, %arg4: memref<1x40xf32, #tpu.memory_space<vmem>>, %arg5: memref<40x128xf32, #tpu.memory_space<vmem>>, %arg6: memref<1280x40xf32, #tpu.memory_space<vmem>>) attributes {dimension_semantics = [#tpu.dimension_semantics<arbitrary>], iteration_bounds = array<i64: 8>, scalar_prefetch = 0 : i64, scratch_operands = 0 : i64, tpu.core_type = #tpu.core_type<tc>, window_params = [{transform_indices = @transform_0, window_bounds = array<i64: 2, 1280, 48>}, {transform_indices = @transform_1, window_bounds = array<i64: 32, 1280>}, {transform_indices = @transform_2, window_bounds = array<i64: 1280, 128>}, {pipeline_mode = #tpu.pipeline_mode<synchronous>, transform_indices = @transform_3, window_bounds = array<i64: 1, 40>}, {pipeline_mode = #tpu.pipeline_mode<synchronous>, transform_indices = @transform_4, window_bounds = array<i64: 40, 128>}, {transform_indices = @transform_5, window_bounds = array<i64: 1280, 40>}]} {
    %get3A = arith.constant 0 : index
    %get3A_0 = arith.constant 0 : index
    %get3A_1 = vector.load %arg2[%get3A, %get3A_0] : memref<32x1280xf32, #tpu.memory_space<vmem>>, vector<32x1280xf32>
    %reduce_sum3A = arith.constant dense<0.000000e+00> : vector<1280xf32>
    %reduce_sum3A_2 = vector.multi_reduction <add>, %get3A_1, %reduce_sum3A [0] : vector<32x1280xf32> to vector<1280xf32>
    %max3A = arith.constant 1.000000e+00 : f32
    %max3A_3 = vector.broadcast %max3A : f32 to vector<1280xf32>
    %max3A_4 = arith.maximumf %reduce_sum3A_2, %max3A_3 : vector<1280xf32>
    %broadcast_in_dim3A = vector.shape_cast %max3A_4 : vector<1280xf32> to vector<1280x1xf32>
    %get3A_5 = arith.constant 0 : index
    %get3A_6 = arith.constant 0 : index
    %get3A_7 = arith.constant 0 : index
    %get3A_8 = vector.load %arg1[%get3A_5, %get3A_6, %get3A_7] : memref<2x1280x48xf32, #tpu.memory_space<vmem>>, vector<1x1280x48xf32>
    %get3A_9 = vector.shape_cast %get3A_8 : vector<1x1280x48xf32> to vector<1280x48xf32>
    %get3A_10 = arith.constant 1 : index
    %get3A_11 = arith.constant 0 : index
    %get3A_12 = arith.constant 0 : index
    %get3A_13 = vector.load %arg1[%get3A_10, %get3A_11, %get3A_12] : memref<2x1280x48xf32, #tpu.memory_space<vmem>>, vector<1x1280x48xf32>
    %get3A_14 = vector.shape_cast %get3A_13 : vector<1x1280x48xf32> to vector<1280x48xf32>
    %add3A = arith.addf %get3A_9, %get3A_14 : vector<1280x48xf32>
    %slice3A = vector.extract_strided_slice %add3A {offsets = [0, 0], sizes = [1280, 40], strides = [1, 1]} : vector<1280x48xf32> to vector<1280x40xf32>
    %div3A = vector.broadcast %broadcast_in_dim3A : vector<1280x1xf32> to vector<1280x40xf32>
    %div3A_15 = arith.divf %slice3A, %div3A : vector<1280x40xf32>
    %get3A_16 = arith.constant 0 : index
    %get3A_17 = arith.constant 0 : index
    %get3A_18 = vector.load %arg4[%get3A_16, %get3A_17] : memref<1x40xf32, #tpu.memory_space<vmem>>, vector<1x40xf32>
    %add3A_19 = vector.broadcast %get3A_18 : vector<1x40xf32> to vector<1280x40xf32>
    %add3A_20 = arith.addf %div3A_15, %add3A_19 : vector<1280x40xf32>
    %get3A_21 = arith.constant 0 : index
    %get3A_22 = arith.constant 0 : index
    %get3A_23 = vector.load %arg3[%get3A_21, %get3A_22] : memref<1280x128xf32, #tpu.memory_space<vmem>>, vector<1280x128xf32>
    %get3A_24 = arith.constant 0 : index
    %get3A_25 = arith.constant 0 : index
    %get3A_26 = vector.load %arg5[%get3A_24, %get3A_25] : memref<40x128xf32, #tpu.memory_space<vmem>>, vector<40x128xf32>
    %dot_general3A = arith.constant dense<0.000000e+00> : vector<1280x40xf32>
    %dot_general3A_27 = tpu.matmul %get3A_23, %get3A_26, %dot_general3A {dimension_numbers = #tpu.dot_dimension_numbers<[1], [1], [0], [0], [0, 0, 1, 0], [], []>, transpose_lhs_hint = false} : vector<1280x128xf32>, vector<40x128xf32>, vector<1280x40xf32> -> vector<1280x40xf32>
    %add3A_28 = arith.addf %add3A_20, %dot_general3A_27 : vector<1280x40xf32>
    %reduce_max3A = arith.constant dense<0xFF800000> : vector<1280xf32>
    %reduce_max3A_29 = vector.multi_reduction <maximumf>, %add3A_28, %reduce_max3A [1] : vector<1280x40xf32> to vector<1280xf32>
    %broadcast_in_dim3A_30 = vector.shape_cast %reduce_max3A_29 : vector<1280xf32> to vector<1280x1xf32>
    %sub3A = vector.broadcast %broadcast_in_dim3A_30 : vector<1280x1xf32> to vector<1280x40xf32>
    %sub3A_31 = arith.subf %add3A_28, %sub3A : vector<1280x40xf32>
    %exp3A = math.exp %sub3A_31 : vector<1280x40xf32>
    %reduce_sum3A_32 = arith.constant dense<0.000000e+00> : vector<1280xf32>
    %reduce_sum3A_33 = vector.multi_reduction <add>, %exp3A, %reduce_sum3A_32 [1] : vector<1280x40xf32> to vector<1280xf32>
    %broadcast_in_dim3A_34 = vector.shape_cast %reduce_sum3A_33 : vector<1280xf32> to vector<1280x1xf32>
    %log3A = math.log %broadcast_in_dim3A_34 : vector<1280x1xf32>
    %sub3A_35 = vector.broadcast %log3A : vector<1280x1xf32> to vector<1280x40xf32>
    %sub3A_36 = arith.subf %sub3A_31, %sub3A_35 : vector<1280x40xf32>
    %swap3A = arith.constant 0 : index
    %swap3A_37 = arith.constant 0 : index
    %swap3A_38 = vector.load %arg6[%swap3A, %swap3A_37] : memref<1280x40xf32, #tpu.memory_space<vmem>>, vector<1280x40xf32>
    tpu.vector_store %arg6[%swap3A, %swap3A_37], %sub3A_36 {strides = array<i32>} : memref<1280x40xf32, #tpu.memory_space<vmem>>, vector<1280x40xf32>,
    return
  }
  func.func @transform_0(%arg0: i32) -> (i32, i32, i32) {
    %c0_i32 = arith.constant 0 : i32
    %c0_i32_0 = arith.constant 0 : i32
    %c0_i32_1 = arith.constant 0 : i32
    return %c0_i32, %arg0, %c0_i32_0 : i32, i32, i32
  }
  func.func @transform_1(%arg0: i32) -> (i32, i32) {
    %c0_i32 = arith.constant 0 : i32
    %c0_i32_0 = arith.constant 0 : i32
    return %c0_i32, %arg0 : i32, i32
  }
  func.func @transform_2(%arg0: i32) -> (i32, i32) {
    %c0_i32 = arith.constant 0 : i32
    %c0_i32_0 = arith.constant 0 : i32
    return %arg0, %c0_i32 : i32, i32
  }
  func.func @transform_3(%arg0: i32) -> (i32, i32) {
    %c0_i32 = arith.constant 0 : i32
    %c0_i32_0 = arith.constant 0 : i32
    %c0_i32_1 = arith.constant 0 : i32
    return %c0_i32, %c0_i32_0 : i32, i32
  }
  func.func @transform_4(%arg0: i32) -> (i32, i32) {
    %c0_i32 = arith.constant 0 : i32
    %c0_i32_0 = arith.constant 0 : i32
    %c0_i32_1 = arith.constant 0 : i32
    return %c0_i32, %c0_i32_0 : i32, i32
  }
  func.func @transform_5(%arg0: i32) -> (i32, i32) {
    %c0_i32 = arith.constant 0 : i32
    %c0_i32_0 = arith.constant 0 : i32
    return %arg0, %c0_i32 : i32, i32
  }
}

</mosaic_0001>

<sc_bundles>
// kernel: kernel.6.cloned.1.call-start
scs
__scs_entry_jumppad:
0x0: {  	(pc) =	sbr.rel $0x88, $3  }
0x1: {  	(tag) =	ssettag $0x0;
	lr =	simm.s32 $0x1  }
0x2: {  	[smem:$0x3F99] =	sst lr;
	_ =	strace $0xD0000000  }
0x3: {  	_ = 	snop  }
0x4: {  	_ = 	snop  }
0x5: {  	_ = 	snop  }
0x6: {  	_ = 	snop  }
0x7: {  	_ = 	snop  }
__scs_overlays_trampoline_lowered:
0x8: {  	[smem:$0x3FA8] =	sst s0  }
0x9: {  	[smem:$0x3FA9] =	sst s1  }
0xa: {  	[smem:$0x3FAA] =	sst s2  }
0xb: {  	[smem:$0x3FAB] =	sst s3  }
0xc: {  	[smem:$0x3FAC] =	sst s4  }
0xd: {  	[smem:$0x3FAD] =	sst s5  }
0xe: {  	[smem:$0x3FAE] =	sst s6  }
0xf: {  	[smem:$0x3FAF] =	sst s7  }
0x10: {  	[smem:$0x3FB0] =	sst s8  }
0x11: {  	[smem:$0x3FB1] =	sst s9;
	s0 =	simm.s32 @!p0 $0x0  }
0x12: {  	s1 =	sld [smem:$0x3F97];
	s0 =	simm.s32 @p0 $0x1  }
0x13: {  	[smem:$0x3FB2] =	sst s0;
	s0 =	simm.s32 @!p1 $0x0  }
0x14: {  	s2 =	sld [smem:$0x3F96];
	s0 =	simm.s32 @p1 $0x1  }
0x15: {  	[smem:$0x3FB3] =	sst s0;
	s0 =	simm.s32 @!p2 $0x0  }
0x16: {  	s3 =	sld [smem:$0x3FDB];
	s0 =	simm.s32 @p2 $0x1  }
0x17: {  	s4 =	simm.s32 $0x1BF5;
	[smem:$0x3FB5] =	sst s0  }
0x18: {  	s0 =	sld [smem:$0x3F98];
	_ =	swait.ge [sflag:s4], $0x0  }
0x19: {  	s7 =	sld [smem:$0x3F99]  }
0x1a: {  	s8 =	sadd.s32 $0xFFFFE003, lr  }
0x1b: {  	s9 =	sadd.s32 $0xFFFFFEF7, lr;
	s5 =	simm.s32 $0xFFFFFFFF;
	p2 =	slt.u32 s8, $0xFFFFF086  }
0x1c: {  	p1 =	slt.u32 s9, $0xF7A;
	s5 =	simm.s32 @!p2 $0x0  }
0x1d: {  	s5 =	simm.s32 @p1 $0x1;
	p0 =	seq.s32 s7, s2  }
0x1e: {  	s7 =	smul.u32 @!p0 $0xF7A, s2;
	p2 =	seq.s32 @!p0 s5, $0x0  }
0x1f: {  	s9 =	smul.u32 $0xF7A, s1;
	s8 =	simm.s32 @!p0 $0x1BF5;
	p2 =	por !p2, p0  }
0x20: {  	[sflag:s8] =	ssyncset.s32 @!p0 $0xFFFFF086;
	s6 =	sadd.s32 @!p0 s3, s7;
	s7 =	simm.s32 @!p0 $0x108  }
0x21: {  	s3 =	sadd.s32 s3, s9;
	s6 =	sadd.s32 @!p0 $0x88, s6;
	s7 =	simm.s32 @p2 $0x1082  }
0x22: {  	[simem:s7], [sflag:s8] =	dma.local @!p0 [hbm:s6], $0xF7A  }
0x23: {  	s9 =	sor.u32 $0xD0000000, s2;
	s6 =	simm.s32 $0x108;
	_ =	swait.ge @!p0 [sflag:s8], $0x0  }
0x24: {  	s3 =	sadd.s32 $0x88, s3;
	s6 =	simm.s32 @!p1 $0x1082;
	[sflag:s4] =	ssyncset.s32 $0xFFFFF086  }
0x25: {  	[simem:s6], [sflag:s4] =	dma.local [hbm:s3], $0xF7A  }
0x26: {  	[smem:$0x3F99] =	sst s1;
	(tag) =	ssettag s2;
	_ =	strace s9  }
0x27: {  	s1 =	sld [smem:$0x3FA9]  }
0x28: {  	s2 =	sld [smem:$0x3FAA]  }
0x29: {  	s4 =	sld [smem:$0x3FAC]  }
0x2a: {  	p0 =	seq.s32 s5, $0x0;
	s5 =	sld [smem:$0x3FAD]  }
0x2b: {  	s6 =	sld [smem:$0x3FAE]  }
0x2c: {  	s7 =	sld [smem:$0x3FAF]  }
0x2d: {  	s3 =	simm.s32 $0x108;
	s8 =	sld [smem:$0x3FB0]  }
0x2e: {  	s3 =	simm.s32 @!p0 $0x1082;
	s9 =	sld [smem:$0x3FB1]  }
0x2f: {  	lr =	sadd.s32 s0, s3;
	s0 =	sld [smem:$0x3FA8]  }
0x30: {  	s3 =	sld [smem:$0x3FAB]  }
0x31: {  	[smem:$0x3FB4] =	sst s10  }
0x32: {  	s10 =	sld [smem:$0x3FB2];
	_ =	sdelay $0x3  }
0x33: {  	p0 =	seq.s32 s10, $0x1;
	s10 =	sld [smem:$0x3FB4];
	_ =	sdelay $0x3  }
0x34: {  	[smem:$0x3FB4] =	sst s10  }
0x35: {  	s10 =	sld [smem:$0x3FB3];
	_ =	sdelay $0x3  }
0x36: {  	p1 =	seq.s32 s10, $0x1;
	s10 =	sld [smem:$0x3FB4];
	_ =	sdelay $0x3  }
0x37: {  	[smem:$0x3FB4] =	sst s10  }
0x38: {  	s10 =	sld [smem:$0x3FB5]  }
0x39: {  	_ = 	snop;
	(pc) =	sbr.ind lr, $3  }
0x3a: {  	_ = 	snop  }
0x3b: {  	_ = 	snop  }
0x3c: {  	p2 =	seq.s32 s10, $0x1;
	s10 =	sld [smem:$0x3FB4]  }
0x3d: {  	_ =	shalt  }
0x3e: {  	_ =	shalt  }
0x3f: {  	_ =	shalt  }
0x40: {  	_ =	shalt  }
0x41: {  	_ =	shalt  }
0x42: {  	_ =	shalt  }
0x43: {  	_ =	shalt  }
0x44: {  	_ =	shalt  }
0x45: {  	_ =	shalt  }
0x46: {  	_ =	shalt  }
0x47: {  	_ =	shalt  }
0x48: {  	_ =	shalt  }
0x49: {  	_ =	shalt  }
0x4a: {  	_ =	shalt  }
0x4b: {  	_ =	shalt  }
0x4c: {  	_ =	shalt  }
0x4d: {  	_ =	shalt  }
0x4e: {  	_ =	shalt  }
0x4f: {  	_ =	shalt  }
0x50: {  	_ =	shalt  }
0x51: {  	_ =	shalt  }
0x52: {  	_ =	shalt  }
0x53: {  	_ =	shalt  }
0x54: {  	_ =	shalt  }
0x55: {  	_ =	shalt  }
0x56: {  	_ =	shalt  }
0x57: {  	_ =	shalt  }
0x58: {  	_ =	shalt  }
0x59: {  	_ =	shalt  }
0x5a: {  	_ =	shalt  }
0x5b: {  	_ =	shalt  }
0x5c: {  	_ =	shalt  }
0x5d: {  	_ =	shalt  }
0x5e: {  	_ =	shalt  }
0x5f: {  	_ =	shalt  }
0x60: {  	_ =	shalt  }
0x61: {  	_ =	shalt  }
0x62: {  	_ =	shalt  }
0x63: {  	_ =	shalt  }
0x64: {  	_ =	shalt  }
0x65: {  	_ =	shalt  }
0x66: {  	_ =	shalt  }
0x67: {  	_ =	shalt  }
0x68: {  	_ =	shalt  }
0x69: {  	_ =	shalt  }
0x6a: {  	_ =	shalt  }
0x6b: {  	_ =	shalt  }
0x6c: {  	_ =	shalt  }
0x6d: {  	_ =	shalt  }
0x6e: {  	_ =	shalt  }
0x6f: {  	_ =	shalt  }
0x70: {  	_ =	shalt  }
0x71: {  	_ =	shalt  }
0x72: {  	_ =	shalt  }
0x73: {  	_ =	shalt  }
0x74: {  	_ =	shalt  }
0x75: {  	_ =	shalt  }
0x76: {  	_ =	shalt  }
0x77: {  	_ =	shalt  }
0x78: {  	_ =	shalt  }
0x79: {  	_ =	shalt  }
0x7a: {  	_ =	shalt  }
0x7b: {  	_ =	shalt  }
0x7c: {  	_ =	shalt  }
0x7d: {  	_ =	shalt  }
0x7e: {  	_ =	shalt  }
0x7f: {  	_ =	shalt  }
0x80: {  	_ =	shalt  }
0x81: {  	_ =	shalt  }
0x82: {  	_ =	shalt  }
0x83: {  	_ =	shalt  }
0x84: {  	_ =	shalt  }
0x85: {  	_ =	shalt  }
0x86: {  	_ =	shalt  }
0x87: {  	_ =	shalt  }
.Lfunc_end0:
.L_simem_size_0:
called_computation_lowered:
.L_overlay_start_0:
0x88: {  	s2 =	sld [smem:$0x3FD9]  }
0x89: {  	s3 =	sld [smem:$0x3FFE];
	_ =	sdelay $0x1  }
0x8a: {  	s1 =	srdreg.scid  }
0x8b: {  	s0 =	sand.u32 $0x1, s1  }
0x8c: {  	s17 =	sshll.u32 s0, $0xA;
	s2 =	sadd.s32 s3, s2  }
0x8d: {  	s2 =	sadd.s32 s2, s17  }
0x8e: {  	[smem:$0x3FC0] =	sst s2  }
0x8f: {  	_ = 	snop  }
0x90: {  	s2 =	sld [smem:$0x3FC9]  }
0x91: {  	s18 =	sld [smem:$0x3FD0];
	(tm) =	ssettm $0x1  }
0x92: {  	s4 =	sld [smem:$0x3FFB];
	_ =	sdelay $0x3  }
0x93: {  	_ =	strace s4  }
0x94: {  	s4 =	sld [smem:$0x3FFC];
	_ =	sdelay $0x3  }
0x95: {  	_ =	strace s4  }
0x96: {  	s4 =	sld [smem:$0x3FFD];
	_ =	sdelay $0x3  }
0x97: {  	_ =	strace s4  }
0x98: {  	_ =	strace $0x8FFFFFFF  }
0x99: {  	s19 =	sld [smem:$0x3FDB];
	_ =	sdelay $0x1  }
0x9a: {  	s5 =	simm.s32 $_scs_section_size  }
0x9b: {  	s6 =	simm.s32 $_size__tile_overlayer_lowered;
	s7 =	simm.s32 $_tile_overlayer_lowered  }
0x9c: {  	s22 =	simm.s32 $0x1BFF;
	s21 =	sshll.u32 s7, $0x1;
	s4 =	sadd.s32 s5, s19  }
0x9d: {  	s8 =	simm.s32 $0x0;
	s20 =	sshll.u32 s6, $0x1;
	s6 =	sadd.s32 s21, s4  }
0x9e: {  	[timem:s8], [sflag:s22] =	dma.local [hbm:s6], s20  }
0x9f: {  	_ =	swait.ge [sflag:s22], s20  }
0xa0: {  	s5 =	ssub.s32 $0x0, s20;
	[sflag:s22] =	ssyncset.done $0x0  }
0xa1: {  	[sflag:s22] =	ssyncadd.s32 s5;
	_ =	sdelay $0x1  }
0xa2: {  	s23 =	simm.s32 $0x1B8B  }
0xa3: {  	_ =	swait.ge [sflag:s23], $0x1  }
0xa4: {  	[sflag:s23] =	ssyncset.done $0x0  }
0xa5: {  	s25 =	simm.s32 $0x1B8E;
	s24 =	sld [smem:$0x3FFE];
	[sflag:s23] =	ssyncadd.s32 $0xFFFFFFFF  }
0xa6: {  	s26 =	simm.s32 $execute0_lowered;
	[smem:$0x3FD2] =	sst s25  }
0xa7: {  	s6 =	sshll.u32 s26, $0x1;
	_ =	strace $0x80000046;
	[dreg:$0x1] =	wrdreg $0xFFFFFFFF  }
0xa8: {  	s28 =	simm.s32 $_size_execute0_lowered;
	s4 =	sadd.s32 s4, s6;
	[dreg:$0x0] =	wrdreg $0x0  }
0xa9: {  	s6 =	sshll.u32 s28, $0x1;
	[dreg:$0x2] =	wrdreg s4  }
0xaa: {  	[dreg:$0x3] =	wrdreg s6  }
0xab: {  	[dreg:$0x4] =	wrdreg $0xC0  }
0xac: {  	_ =	task [dreg:s8], $0x5FFFF  }
0xad: {  	[dreg:$0x1] =	wrdreg $0xFFFFFFFF  }
0xae: {  	[dreg:$0x0] =	wrdreg $0x60  }
0xaf: {  	[dreg:$0x2] =	wrdreg s2  }
0xb0: {  	[dreg:$0x3] =	wrdreg s24  }
0xb1: {  	[dreg:$0x4] =	wrdreg s18  }
0xb2: {  	[dreg:$0x5] =	wrdreg $0xC5300  }
0xb3: {  	[dreg:$0x6] =	wrdreg $0x9  }
0xb4: {  	_ =	task.clear_ibuf [dreg:s8], $0x7FFFF;
	_ =	strace $0x90000046  }
0xb5: {  	s29 =	simm.s32 $0x9;
	_ =	strace $0x80000048  }
0xb6: {  	_ =	swait.ge [sflag:s29], $0x1  }
0xb7: {  	[sflag:s29] =	ssyncadd.s32 $0xFFFFFFFF  }
0xb8: {  	_ =	strace $0x90000048  }
0xb9: {  	_ =	sfence  }
0xba: {  	s30 =	sld [smem:$0x0];
	_ =	sdelay $0x2  }
0xbb: {  	s31 =	sshll.u32 s1, $0xD;
	s1 =	sshrl.u32 s1, $0x2  }
0xbc: {  	s3 =	sand.u32 $0x4000, s31;
	s1 =	sadd.s32 s1, s30  }
0xbd: {  	s0 =	sor.u32 s3, s0;
	s1 =	sshll.u32 s1, $0x11  }
0xbe: {  	s0 =	sor.u32 s1, s0  }
0xbf: {  	s0 =	sadd.s32 $0x8F2B, s0  }
0xc0: {  	[sflag:s0] =	ssyncadd.remote.s32 $0x1  }
0xc1: {  	_ =	sfence.sel $0xFFFF  }
0xc2: {  	[dreg:$0x0] =	wrdreg $0xFFFFFFFF;
	(pc) =	sbr.abs _section_cstart, $3  }
0xc3: {  	[dreg:$0x1] =	wrdreg $0xFFFFFFFF  }
0xc4: {  	_ =	task.clear_ibuf [dreg:s8], $0x2FFFF;
	_ =	strace $0x9FFFFFFF  }
0xc5: {  	(tm) =	ssettm $0x7FFFFFFF  }
tec
execute0_lowered:
.L_overlay_start_1:
0x0: {  	(tag) =	ssettag $0x1  }
0x1: {  	s1 =	rddreg [dreg:$0x0]  }
0x2: {  	s7 =	rddreg [dreg:$0x1]  }
0x3: {  	s8 =	rddreg [dreg:$0x2]  }
0x4: {  	s3 =	rddreg [dreg:$0x3];
	s4 =	srdreg.scid  }
0x5: {  	s0 =	rddreg [dreg:$0x4];
	s2 =	stileid.u32;
	s16 =	simm.s32 $0x9E20  }
0x6: {  	s17 =	simm.s32 $0x50;
	s18 =	simm.s32 $0x4E20;
	s19 =	simm.s32 $0x7620  }
0x7: {  	s20 =	simm.s32 $0x1;
	s21 =	simm.s32 $0x2;
	s22 =	simm.s32 $0x4DD0  }
0x8: {  	s23 =	simm.s32 $0x0;
	s9 =	sand.u32 $0x1, s4;
	s4 =	simm.s32 $0x0  }
0x9: {  	s10 =	smul.u32 $0x13880, s2;
	s31 =	sshll.u32 s2, $0x6;
	s5 =	sshll.u32 s9, $0x4  }
0xa: {  	[smem:$0x7FF] =	sst s4;
	s11 =	smul.u32 $0x138800, s9;
	s9 =	ssub.s32 $0x2, s9  }
0xb: {  	s6 =	sor.u32 s2, s5;
	_ =	strace $0x80000047;
	s5 =	sadd.s32 $0xB800, s7  }
0xc: {  	s14 =	sshrl.u32 s9, $0x1;
	s15 =	sadd.s32 s10, s3;
	s12 =	smul.u32 $0x4E2, s6  }
0xd: {  	s6 =	sadd.s32 $0xE000, s7;
	s11 =	sadd.s32 s10, s11;
	s14 =	ssub.s32 s9, s14  }
0xe: {  	s15 =	sshrl.u32 s15, $0x3;
	s11 =	sshrl.u32 s11, $0x3;
	s13 =	sadd.s32 s12, s7  }
0xf: {  	s11 =	sadd.s32 s11, s7;
	s8 =	sadd.s32 s8, s12;
	s12 =	simm.s32 $0x3  }
0x10: {  	s7 =	sadd.s32 $0x1A00, s13;
	s9 =	sadd.s32 $0x18400, s11;
	s10 =	sadd.s32 $0xE600, s13  }
0x11: {  	v0 =	vimm.f32 $1.000000000e+00;
	s11 =	smax.u32 s14, $0x1;
	s13 =	simm.s32 $0x2710;
	s14 =	sor.u32 $0x1C03, s31  }
.LBB2_1:
0x12: {  	[tilespmem:s4], [sflag:$0x3] =	stream.linear.gather [hbm4b:s7+s4], $0x2710, $0x38;
	[tilespmem:$0x1FDB0] =	vst v63  }
0x13: {  	_ =	swait.ge [sflag:s12], $0x2710  }
0x14: {  	[sflag:s12] =	ssyncset.done $0x0  }
0x15: {  	[sflag:s12] =	ssyncadd.s32 $0xFFFFD8F0  }
0x16: {  	[tilespmem:s13], [sflag:$0x3] =	stream.linear.gather [hbm4b:s8+s4], $0x2710, $0x38;
	[tilespmem:$0x1FDB0] =	vst v63  }
0x17: {  	_ =	swait.ge [sflag:s12], $0x2710  }
0x18: {  	[sflag:s12] =	ssyncset.done $0x0  }
0x19: {  	[sflag:s12] =	ssyncadd.s32 $0xFFFFD8F0  }
0x1a: {  	[spmem:s15], [sflag:s14] =	dma.local [hbm:s5], $0x2710  }
0x1b: {  	_ =	swait.ge [sflag:s12], $0x2710  }
0x1c: {  	[sflag:s12] =	ssyncset.done $0x0  }
0x1d: {  	[sflag:s12] =	ssyncadd.s32 $0xFFFFD8F0  }
0x1e: {  	[tilespmem:s16], [sflag:$0x3] =	stream.linear.gather [hbm4b:s6+s4], $0x2710, $0x38;
	[tilespmem:$0x1FDB0] =	vst v63  }
0x1f: {  	_ =	swait.ge [sflag:s12], $0x2710  }
0x20: {  	[sflag:s12] =	ssyncset.done $0x0  }
0x21: {  	[sflag:s12] =	ssyncadd.s32 $0xFFFFD8F0  }
0x22: {  	s24 =	simm.s32 $0x0;
	[bflag:$0x0] =	sbarrier.arrive $0xFFFF  }
0x23: {  	[tilespmem:s18], [sflag:$0x1] =	stream.indirect.gather [hbm4b:s1+s17], $0x80, s4, s17, $0xb8;
	[tilespmem:$0x1FDB0] =	vst v63  }
.LBB2_2:
0x24: {  	s25 =	sshra.s32 s24, $0x2  }
0x25: {  	s26 =	sadd.s32 $0x50, s25  }
0x26: {  	[tilespmem:s19], [sflag:$0x2] =	stream.indirect.gather [hbm4b:s1+s17], $0x80, s26, s17, $0xb8;
	[tilespmem:$0x1FDB0] =	vst v63  }
0x27: {  	_ =	swait.ge [sflag:s20], $0x2800  }
0x28: {  	[sflag:s20] =	ssyncset.done $0x0  }
0x29: {  	s29 =	sadd.s32 $0x2710, s25;
	[sflag:s20] =	ssyncadd.s32 $0xFFFFD800  }
0x2a: {  	[spmem:s3] =	stream.indirect.scatter.add.f32 [tilespmem:s18], [sflag:$0x3], $0x80, s29, s17, $0xb8;
	[tilespmem:$0x1FDB0] =	vst v63  }
0x2b: {  	_ =	swait.ge [sflag:s12], $0x2800  }
0x2c: {  	[sflag:s12] =	ssyncset.done $0x0  }
0x2d: {  	[sflag:s12] =	ssyncadd.s32 $0xFFFFD800  }
0x2e: {  	v1 =	vld [tilespmem:s25+$0x2710];
	_ =	sdelay $0x7  }
0x2f: {  	[tilespmem:v1+s16+$0x0] =	vst.idx.add.f32.msk $0xffff, v0  }
0x30: {  	v1 =	vld [tilespmem:s25+$0x2720];
	_ =	sdelay $0x7  }
0x31: {  	[tilespmem:v1+s16+$0x0] =	vst.idx.add.f32.msk $0xffff, v0  }
0x32: {  	v1 =	vld [tilespmem:s25+$0x2730];
	_ =	sdelay $0x7  }
0x33: {  	[tilespmem:v1+s16+$0x0] =	vst.idx.add.f32.msk $0xffff, v0  }
0x34: {  	v1 =	vld [tilespmem:s25+$0x2740];
	_ =	sdelay $0x7  }
0x35: {  	[tilespmem:v1+s16+$0x0] =	vst.idx.add.f32.msk $0xffff, v0  }
0x36: {  	v1 =	vld [tilespmem:s25+$0x2750];
	_ =	sdelay $0x7  }
0x37: {  	s30 =	sadd.s32 $0xA0, s25;
	[tilespmem:v1+s16+$0x0] =	vst.idx.add.f32.msk $0xffff, v0  }
0x38: {  	[tilespmem:s18], [sflag:$0x1] =	stream.indirect.gather [hbm4b:s1+s17], $0x80, s30, s17, $0xb8;
	[tilespmem:$0x1FDB0] =	vst v63  }
0x39: {  	_ =	swait.ge [sflag:s21], $0x2800  }
0x3a: {  	[sflag:s21] =	ssyncset.done $0x0  }
0x3b: {  	s31 =	sadd.s32 $0x2760, s25;
	[sflag:s21] =	ssyncadd.s32 $0xFFFFD800  }
0x3c: {  	[spmem:s3] =	stream.indirect.scatter.add.f32 [tilespmem:s19], [sflag:$0x3], $0x80, s31, s17, $0xb8;
	[tilespmem:$0x1FDB0] =	vst v63  }
0x3d: {  	_ =	swait.ge [sflag:s12], $0x2800  }
0x3e: {  	[sflag:s12] =	ssyncset.done $0x0  }
0x3f: {  	[sflag:s12] =	ssyncadd.s32 $0xFFFFD800  }
0x40: {  	v1 =	vld [tilespmem:s25+$0x2760];
	_ =	sdelay $0x7  }
0x41: {  	[tilespmem:v1+s16+$0x0] =	vst.idx.add.f32.msk $0xffff, v0  }
0x42: {  	v1 =	vld [tilespmem:s25+$0x2770];
	_ =	sdelay $0x7  }
0x43: {  	[tilespmem:v1+s16+$0x0] =	vst.idx.add.f32.msk $0xffff, v0  }
0x44: {  	v1 =	vld [tilespmem:s25+$0x2780];
	_ =	sdelay $0x7  }
0x45: {  	[tilespmem:v1+s16+$0x0] =	vst.idx.add.f32.msk $0xffff, v0  }
0x46: {  	v1 =	vld [tilespmem:s25+$0x2790];
	_ =	sdelay $0x7  }
0x47: {  	[tilespmem:v1+s16+$0x0] =	vst.idx.add.f32.msk $0xffff, v0  }
0x48: {  	v1 =	vld [tilespmem:s25+$0x27A0];
	_ =	sdelay $0x2  }
0x49: {  	p0 =	sne.s32 s24, $0x9880  }
.Ltmp0:
0x4a: {  	_ = 	snop;
	(pc) =	sbr.rel @p0 .LBB2_2-.Ltmp0, $2  }
0x4b: {  	_ =	sdelay $0x2  }
0x4c: {  	s24 =	sadd.s32 $0x280, s24;
	[tilespmem:v1+s16+$0x0] =	vst.idx.add.f32.msk $0xffff, v0  }
0x4d: {  	_ =	swait.ge [sflag:s20], $0x2800  }
0x4e: {  	[sflag:s20] =	ssyncset.done $0x0  }
0x4f: {  	[sflag:s20] =	ssyncadd.s32 $0xFFFFD800  }
0x50: {  	[spmem:s3] =	stream.indirect.scatter.add.f32 [tilespmem:s18], [sflag:$0x3], $0x80, s22, s17, $0xb8;
	[tilespmem:$0x1FDB0] =	vst v63  }
0x51: {  	_ =	swait.ge [sflag:s12], $0x2800  }
0x52: {  	[sflag:s12] =	ssyncset.done $0x0  }
0x53: {  	[sflag:s12] =	ssyncadd.s32 $0xFFFFD800  }
0x54: {  	v1 =	vld [tilespmem:$0x4DD0];
	_ =	sdelay $0x7  }
0x55: {  	[tilespmem:v1+s16+$0x0] =	vst.idx.add.f32.msk $0xffff, v0  }
0x56: {  	v1 =	vld [tilespmem:$0x4DE0];
	_ =	sdelay $0x7  }
0x57: {  	[tilespmem:v1+s16+$0x0] =	vst.idx.add.f32.msk $0xffff, v0  }
0x58: {  	v1 =	vld [tilespmem:$0x4DF0];
	_ =	sdelay $0x7  }
0x59: {  	[tilespmem:v1+s16+$0x0] =	vst.idx.add.f32.msk $0xffff, v0  }
0x5a: {  	v1 =	vld [tilespmem:$0x4E00];
	_ =	sdelay $0x7  }
0x5b: {  	[tilespmem:v1+s16+$0x0] =	vst.idx.add.f32.msk $0xffff, v0  }
0x5c: {  	v1 =	vld [tilespmem:$0x4E10];
	_ =	sdelay $0x7  }
0x5d: {  	[tilespmem:v1+s16+$0x0] =	vst.idx.add.f32.msk $0xffff, v0  }
0x5e: {  	[bflag:$0x0] =	sbarrier.arrive $0xFFFF  }
0x5f: {  	[hbm:s9], [sflag:s14] =	dma.local [spmem:s15], $0x2710  }
0x60: {  	s23 =	sadd.s32 $0x1, s23;
	_ =	swait.ge [sflag:s12], $0x2710  }
0x61: {  	p0 =	sne.s32 s23, s11;
	[sflag:s12] =	ssyncset.done $0x0  }
.Ltmp1:
0x62: {  	[sflag:s12] =	ssyncadd.s32 $0xFFFFD8F0;
	(pc) =	sbr.rel @p0 .LBB2_1-.Ltmp1, $4  }
0x63: {  	[hbm4b:s10+s4] =	stream.linear.scatter [tilespmem:s16], [sflag:$0x3], $0x2710, $0x38;
	[tilespmem:$0x1FDB0] =	vst v63  }
0x64: {  	_ =	swait.ge [sflag:s12], $0x2710  }
0x65: {  	[sflag:s12] =	ssyncset.done $0x0  }
0x66: {  	[sflag:s12] =	ssyncadd.s32 $0xFFFFD8F0  }
0x67: {  	_ =	sfence.sel $0x180000  }
0x68: {  	[bflag:$0x0] =	sbarrier.arrive $0xFFFF  }
0x69: {  	p0 =	sne.s32 s2, $0x0;
	_ =	strace $0x90000047  }
0x6a: {  	s0 =	sadd.s32 @!p0 $0x100000, s0;
	[bflag:$0x2] =	sbarrier.arrive $0xFFFF  }
0x6b: {  	[sflag:s0] =	ssyncadd.tile.s32 @!p0 $0x1;
	_ =	shalt  }
.Lfunc_end2:
_tile_overlayer_lowered:
.L_overlay_start_2:
0x6c: {  	(tag) =	ssettag $0x2  }
0x6d: {  	s0 =	rddreg [dreg:$0x0];
	s2 =	stileid.u32  }
0x6e: {  	s1 =	rddreg [dreg:$0x1];
	p0 =	sne.s32 s2, $0x0  }
0x6f: {  	s3 =	rddreg [dreg:$0x2];
	[bflag:$0x3] =	sbarrier.arrive $0xFFFF;
	s2 =	simm.s32 @!p0 $0x1C03  }
0x70: {  	[timem:s3], [sflag:s2] =	dma.local @!p0 [hbm:s0], s1  }
0x71: {  	s0 =	simm.s32 @!p0 $0x3  }
0x72: {  	_ =	swait.ge @!p0 [sflag:s0], s1  }
0x73: {  	s1 =	ssub.s32 @!p0 $0x0, s1;
	[sflag:s0] =	ssyncset.done @!p0 $0x0  }
0x74: {  	[sflag:s0] =	ssyncadd.s32 @!p0 s1  }
0x75: {  	[bflag:$0x3] =	sbarrier.arrive $0xFFFF  }
0x76: {  	_ =	shalt  }

// kernel: kernel.9.cloned.1.call-start
scs
__scs_entry_jumppad:
0x0: {  	(pc) =	sbr.rel $0x88, $3  }
0x1: {  	(tag) =	ssettag $0x0;
	lr =	simm.s32 $0x1  }
0x2: {  	[smem:$0x3F99] =	sst lr;
	_ =	strace $0xD0000000  }
0x3: {  	_ = 	snop  }
0x4: {  	_ = 	snop  }
0x5: {  	_ = 	snop  }
0x6: {  	_ = 	snop  }
0x7: {  	_ = 	snop  }
__scs_overlays_trampoline_lowered:
0x8: {  	[smem:$0x3FA8] =	sst s0  }
0x9: {  	[smem:$0x3FA9] =	sst s1  }
0xa: {  	[smem:$0x3FAA] =	sst s2  }
0xb: {  	[smem:$0x3FAB] =	sst s3  }
0xc: {  	[smem:$0x3FAC] =	sst s4  }
0xd: {  	[smem:$0x3FAD] =	sst s5  }
0xe: {  	[smem:$0x3FAE] =	sst s6  }
0xf: {  	[smem:$0x3FAF] =	sst s7  }
0x10: {  	[smem:$0x3FB0] =	sst s8  }
0x11: {  	[smem:$0x3FB1] =	sst s9;
	s0 =	simm.s32 @!p0 $0x0  }
0x12: {  	s1 =	sld [smem:$0x3F97];
	s0 =	simm.s32 @p0 $0x1  }
0x13: {  	[smem:$0x3FB2] =	sst s0;
	s0 =	simm.s32 @!p1 $0x0  }
0x14: {  	s2 =	sld [smem:$0x3F96];
	s0 =	simm.s32 @p1 $0x1  }
0x15: {  	[smem:$0x3FB3] =	sst s0;
	s0 =	simm.s32 @!p2 $0x0  }
0x16: {  	s3 =	sld [smem:$0x3FDB];
	s0 =	simm.s32 @p2 $0x1  }
0x17: {  	s4 =	simm.s32 $0x1BF5;
	[smem:$0x3FB5] =	sst s0  }
0x18: {  	s0 =	sld [smem:$0x3F98];
	_ =	swait.ge [sflag:s4], $0x0  }
0x19: {  	s7 =	sld [smem:$0x3F99]  }
0x1a: {  	s8 =	sadd.s32 $0xFFFFE003, lr  }
0x1b: {  	s9 =	sadd.s32 $0xFFFFFEF7, lr;
	s5 =	simm.s32 $0xFFFFFFFF;
	p2 =	slt.u32 s8, $0xFFFFF086  }
0x1c: {  	p1 =	slt.u32 s9, $0xF7A;
	s5 =	simm.s32 @!p2 $0x0  }
0x1d: {  	s5 =	simm.s32 @p1 $0x1;
	p0 =	seq.s32 s7, s2  }
0x1e: {  	s7 =	smul.u32 @!p0 $0xF7A, s2;
	p2 =	seq.s32 @!p0 s5, $0x0  }
0x1f: {  	s9 =	smul.u32 $0xF7A, s1;
	s8 =	simm.s32 @!p0 $0x1BF5;
	p2 =	por !p2, p0  }
0x20: {  	[sflag:s8] =	ssyncset.s32 @!p0 $0xFFFFF086;
	s6 =	sadd.s32 @!p0 s3, s7;
	s7 =	simm.s32 @!p0 $0x108  }
0x21: {  	s3 =	sadd.s32 s3, s9;
	s6 =	sadd.s32 @!p0 $0x88, s6;
	s7 =	simm.s32 @p2 $0x1082  }
0x22: {  	[simem:s7], [sflag:s8] =	dma.local @!p0 [hbm:s6], $0xF7A  }
0x23: {  	s9 =	sor.u32 $0xD0000000, s2;
	s6 =	simm.s32 $0x108;
	_ =	swait.ge @!p0 [sflag:s8], $0x0  }
0x24: {  	s3 =	sadd.s32 $0x88, s3;
	s6 =	simm.s32 @!p1 $0x1082;
	[sflag:s4] =	ssyncset.s32 $0xFFFFF086  }
0x25: {  	[simem:s6], [sflag:s4] =	dma.local [hbm:s3], $0xF7A  }
0x26: {  	[smem:$0x3F99] =	sst s1;
	(tag) =	ssettag s2;
	_ =	strace s9  }
0x27: {  	s1 =	sld [smem:$0x3FA9]  }
0x28: {  	s2 =	sld [smem:$0x3FAA]  }
0x29: {  	s4 =	sld [smem:$0x3FAC]  }
0x2a: {  	p0 =	seq.s32 s5, $0x0;
	s5 =	sld [smem:$0x3FAD]  }
0x2b: {  	s6 =	sld [smem:$0x3FAE]  }
0x2c: {  	s7 =	sld [smem:$0x3FAF]  }
0x2d: {  	s3 =	simm.s32 $0x108;
	s8 =	sld [smem:$0x3FB0]  }
0x2e: {  	s3 =	simm.s32 @!p0 $0x1082;
	s9 =	sld [smem:$0x3FB1]  }
0x2f: {  	lr =	sadd.s32 s0, s3;
	s0 =	sld [smem:$0x3FA8]  }
0x30: {  	s3 =	sld [smem:$0x3FAB]  }
0x31: {  	[smem:$0x3FB4] =	sst s10  }
0x32: {  	s10 =	sld [smem:$0x3FB2];
	_ =	sdelay $0x3  }
0x33: {  	p0 =	seq.s32 s10, $0x1;
	s10 =	sld [smem:$0x3FB4];
	_ =	sdelay $0x3  }
0x34: {  	[smem:$0x3FB4] =	sst s10  }
0x35: {  	s10 =	sld [smem:$0x3FB3];
	_ =	sdelay $0x3  }
0x36: {  	p1 =	seq.s32 s10, $0x1;
	s10 =	sld [smem:$0x3FB4];
	_ =	sdelay $0x3  }
0x37: {  	[smem:$0x3FB4] =	sst s10  }
0x38: {  	s10 =	sld [smem:$0x3FB5]  }
0x39: {  	_ = 	snop;
	(pc) =	sbr.ind lr, $3  }
0x3a: {  	_ = 	snop  }
0x3b: {  	_ = 	snop  }
0x3c: {  	p2 =	seq.s32 s10, $0x1;
	s10 =	sld [smem:$0x3FB4]  }
0x3d: {  	_ =	shalt  }
0x3e: {  	_ =	shalt  }
0x3f: {  	_ =	shalt  }
0x40: {  	_ =	shalt  }
0x41: {  	_ =	shalt  }
0x42: {  	_ =	shalt  }
0x43: {  	_ =	shalt  }
0x44: {  	_ =	shalt  }
0x45: {  	_ =	shalt  }
0x46: {  	_ =	shalt  }
0x47: {  	_ =	shalt  }
0x48: {  	_ =	shalt  }
0x49: {  	_ =	shalt  }
0x4a: {  	_ =	shalt  }
0x4b: {  	_ =	shalt  }
0x4c: {  	_ =	shalt  }
0x4d: {  	_ =	shalt  }
0x4e: {  	_ =	shalt  }
0x4f: {  	_ =	shalt  }
0x50: {  	_ =	shalt  }
0x51: {  	_ =	shalt  }
0x52: {  	_ =	shalt  }
0x53: {  	_ =	shalt  }
0x54: {  	_ =	shalt  }
0x55: {  	_ =	shalt  }
0x56: {  	_ =	shalt  }
0x57: {  	_ =	shalt  }
0x58: {  	_ =	shalt  }
0x59: {  	_ =	shalt  }
0x5a: {  	_ =	shalt  }
0x5b: {  	_ =	shalt  }
0x5c: {  	_ =	shalt  }
0x5d: {  	_ =	shalt  }
0x5e: {  	_ =	shalt  }
0x5f: {  	_ =	shalt  }
0x60: {  	_ =	shalt  }
0x61: {  	_ =	shalt  }
0x62: {  	_ =	shalt  }
0x63: {  	_ =	shalt  }
0x64: {  	_ =	shalt  }
0x65: {  	_ =	shalt  }
0x66: {  	_ =	shalt  }
0x67: {  	_ =	shalt  }
0x68: {  	_ =	shalt  }
0x69: {  	_ =	shalt  }
0x6a: {  	_ =	shalt  }
0x6b: {  	_ =	shalt  }
0x6c: {  	_ =	shalt  }
0x6d: {  	_ =	shalt  }
0x6e: {  	_ =	shalt  }
0x6f: {  	_ =	shalt  }
0x70: {  	_ =	shalt  }
0x71: {  	_ =	shalt  }
0x72: {  	_ =	shalt  }
0x73: {  	_ =	shalt  }
0x74: {  	_ =	shalt  }
0x75: {  	_ =	shalt  }
0x76: {  	_ =	shalt  }
0x77: {  	_ =	shalt  }
0x78: {  	_ =	shalt  }
0x79: {  	_ =	shalt  }
0x7a: {  	_ =	shalt  }
0x7b: {  	_ =	shalt  }
0x7c: {  	_ =	shalt  }
0x7d: {  	_ =	shalt  }
0x7e: {  	_ =	shalt  }
0x7f: {  	_ =	shalt  }
0x80: {  	_ =	shalt  }
0x81: {  	_ =	shalt  }
0x82: {  	_ =	shalt  }
0x83: {  	_ =	shalt  }
0x84: {  	_ =	shalt  }
0x85: {  	_ =	shalt  }
0x86: {  	_ =	shalt  }
0x87: {  	_ =	shalt  }
.Lfunc_end0:
.L_simem_size_0:
called_computation.1_lowered:
.L_overlay_start_0:
0x88: {  	s2 =	sld [smem:$0x3FD9]  }
0x89: {  	s3 =	sld [smem:$0x3FFE];
	_ =	sdelay $0x1  }
0x8a: {  	s1 =	srdreg.scid  }
0x8b: {  	s0 =	sand.u32 $0x1, s1  }
0x8c: {  	s17 =	sshll.u32 s0, $0xA;
	s2 =	sadd.s32 s3, s2  }
0x8d: {  	s2 =	sadd.s32 s2, s17  }
0x8e: {  	[smem:$0x3FC0] =	sst s2  }
0x8f: {  	_ = 	snop  }
0x90: {  	s2 =	sld [smem:$0x3FD0];
	(tm) =	ssettm $0x1  }
0x91: {  	s18 =	sld [smem:$0x3FFB];
	_ =	sdelay $0x3  }
0x92: {  	_ =	strace s18  }
0x93: {  	s3 =	sld [smem:$0x3FFC];
	_ =	sdelay $0x3  }
0x94: {  	_ =	strace s3  }
0x95: {  	s3 =	sld [smem:$0x3FFD];
	_ =	sdelay $0x3  }
0x96: {  	_ =	strace s3  }
0x97: {  	_ =	strace $0x8FFFFFFF  }
0x98: {  	s19 =	sld [smem:$0x3FDB];
	_ =	sdelay $0x1  }
0x99: {  	s4 =	simm.s32 $_scs_section_size  }
0x9a: {  	s5 =	simm.s32 $_size__tile_overlayer_lowered;
	s6 =	simm.s32 $_tile_overlayer_lowered  }
0x9b: {  	s22 =	simm.s32 $0x1BFF;
	s21 =	sshll.u32 s6, $0x1;
	s3 =	sadd.s32 s4, s19  }
0x9c: {  	s7 =	simm.s32 $0x0;
	s20 =	sshll.u32 s5, $0x1;
	s5 =	sadd.s32 s21, s3  }
0x9d: {  	[timem:s7], [sflag:s22] =	dma.local [hbm:s5], s20  }
0x9e: {  	_ =	swait.ge [sflag:s22], s20  }
0x9f: {  	s4 =	ssub.s32 $0x0, s20;
	[sflag:s22] =	ssyncset.done $0x0  }
0xa0: {  	[sflag:s22] =	ssyncadd.s32 s4;
	_ =	sdelay $0x1  }
0xa1: {  	s23 =	simm.s32 $0x1B8B  }
0xa2: {  	_ =	swait.ge [sflag:s23], $0x1  }
0xa3: {  	[sflag:s23] =	ssyncset.done $0x0  }
0xa4: {  	s25 =	simm.s32 $0x1B8E;
	s24 =	sld [smem:$0x3FFE];
	[sflag:s23] =	ssyncadd.s32 $0xFFFFFFFF  }
0xa5: {  	s26 =	simm.s32 $execute0_lowered;
	[smem:$0x3FD2] =	sst s25  }
0xa6: {  	s5 =	sshll.u32 s26, $0x1;
	_ =	strace $0x80000049;
	[dreg:$0x1] =	wrdreg $0xFFFFFFFF  }
0xa7: {  	s28 =	simm.s32 $_size_execute0_lowered;
	s3 =	sadd.s32 s3, s5;
	[dreg:$0x0] =	wrdreg $0x0  }
0xa8: {  	s5 =	sshll.u32 s28, $0x1;
	[dreg:$0x2] =	wrdreg s3  }
0xa9: {  	[dreg:$0x3] =	wrdreg s5  }
0xaa: {  	[dreg:$0x4] =	wrdreg $0xC0  }
0xab: {  	_ =	task [dreg:s7], $0x5FFFF  }
0xac: {  	[dreg:$0x1] =	wrdreg $0xFFFFFFFF  }
0xad: {  	[dreg:$0x0] =	wrdreg $0x60  }
0xae: {  	[dreg:$0x2] =	wrdreg s24  }
0xaf: {  	[dreg:$0x3] =	wrdreg s2  }
0xb0: {  	[dreg:$0x4] =	wrdreg $0x8A200  }
0xb1: {  	[dreg:$0x5] =	wrdreg $0x9  }
0xb2: {  	_ =	task.clear_ibuf [dreg:s7], $0x6FFFF;
	_ =	strace $0x90000049  }
0xb3: {  	s29 =	simm.s32 $0x9;
	_ =	strace $0x8000004B  }
0xb4: {  	_ =	swait.ge [sflag:s29], $0x1  }
0xb5: {  	[sflag:s29] =	ssyncadd.s32 $0xFFFFFFFF  }
0xb6: {  	_ =	strace $0x9000004B  }
0xb7: {  	_ =	sfence  }
0xb8: {  	s30 =	sld [smem:$0x0];
	_ =	sdelay $0x2  }
0xb9: {  	s31 =	sshll.u32 s1, $0xD;
	s1 =	sshrl.u32 s1, $0x2  }
0xba: {  	s3 =	sand.u32 $0x4000, s31;
	s1 =	sadd.s32 s1, s30  }
0xbb: {  	s0 =	sor.u32 s3, s0;
	s1 =	sshll.u32 s1, $0x11  }
0xbc: {  	s0 =	sor.u32 s1, s0  }
0xbd: {  	s0 =	sadd.s32 $0x8F2B, s0  }
0xbe: {  	[sflag:s0] =	ssyncadd.remote.s32 $0x1  }
0xbf: {  	_ =	sfence.sel $0xFFFF  }
0xc0: {  	[dreg:$0x0] =	wrdreg $0xFFFFFFFF;
	(pc) =	sbr.abs _section_cstart, $3  }
0xc1: {  	[dreg:$0x1] =	wrdreg $0xFFFFFFFF  }
0xc2: {  	_ =	task.clear_ibuf [dreg:s7], $0x2FFFF;
	_ =	strace $0x9FFFFFFF  }
0xc3: {  	(tm) =	ssettm $0x7FFFFFFF  }
tec
execute0_lowered:
.L_overlay_start_1:
0x0: {  	(tag) =	ssettag $0x1  }
0x1: {  	s0 =	srdreg.scid;
	s1 =	rddreg [dreg:$0x0]  }
0x2: {  	s12 =	stileid.u32;
	s7 =	rddreg [dreg:$0x1]  }
0x3: {  	s14 =	simm.s32 $0x50;
	s15 =	simm.s32 $0x4E20;
	s16 =	simm.s32 $0x5D20  }
0x4: {  	s17 =	simm.s32 $0x1;
	s19 =	simm.s32 $0x6C20;
	s20 =	simm.s32 $0x2  }
0x5: {  	s23 =	simm.s32 $0x7B20;
	s24 =	simm.s32 $0x3;
	s25 =	simm.s32 $0x5  }
0x6: {  	s26 =	simm.s32 $0x4;
	s28 =	simm.s32 $0x6;
	s29 =	simm.s32 $0x7  }
0x7: {  	s30 =	simm.s32 $0x8;
	s18 =	simm.s32 $0x4DD0;
	s21 =	simm.s32 $0x0  }
0x8: {  	s0 =	sand.u32 $0x1, s0;
	s9 =	smul.u32 $0x7530, s12;
	s4 =	sadd.s32 $0xB800, s1  }
0x9: {  	s31 =	sshll.u32 s12, $0x6;
	s2 =	sshll.u32 s0, $0x4;
	s5 =	smul.u32 $0x75300, s0  }
0xa: {  	s0 =	ssub.s32 $0x2, s0;
	s3 =	sor.u32 s12, s2;
	s2 =	rddreg [dreg:$0x2]  }
0xb: {  	s11 =	sshrl.u32 s0, $0x1;
	s12 =	sor.u32 $0x1C09, s31;
	s8 =	smul.u32 $0x4E2, s3  }
0xc: {  	s3 =	simm.s32 $0x0;
	s10 =	sadd.s32 s9, s5;
	s5 =	sadd.s32 $0x1A400, s1  }
0xd: {  	s0 =	ssub.s32 s0, s11;
	s13 =	sadd.s32 s9, s2;
	s11 =	simm.s32 $0x2710  }
0xe: {  	[smem:$0x7FF] =	sst s3;
	s10 =	sshrl.u32 s10, $0x3;
	s9 =	smax.u32 s0, $0x1  }
0xf: {  	s13 =	sshrl.u32 s13, $0x3;
	s0 =	simm.s32 $0x4D80;
	_ =	strace $0x8000004A  }
0x10: {  	s6 =	sadd.s32 s8, s1;
	s1 =	sadd.s32 s10, s1;
	s7 =	sadd.s32 s7, s8  }
0x11: {  	s10 =	simm.s32 $0x9;
	s6 =	sadd.s32 $0x1A00, s6;
	s8 =	sadd.s32 $0x1B400, s1  }
.LBB2_1:
0x12: {  	[tilespmem:s3], [sflag:$0x9] =	stream.linear.gather [hbm4b:s6+s3], $0x2710, $0x38;
	[tilespmem:$0xFF50] =	vst v63  }
0x13: {  	_ =	swait.ge [sflag:s10], $0x2710  }
0x14: {  	[sflag:s10] =	ssyncset.done $0x0  }
0x15: {  	[sflag:s10] =	ssyncadd.s32 $0xFFFFD8F0  }
0x16: {  	[tilespmem:s11], [sflag:$0x9] =	stream.linear.gather [hbm4b:s7+s3], $0x2710, $0x38;
	[tilespmem:$0xFF50] =	vst v63  }
0x17: {  	_ =	swait.ge [sflag:s10], $0x2710  }
0x18: {  	[sflag:s10] =	ssyncset.done $0x0  }
0x19: {  	[sflag:s10] =	ssyncadd.s32 $0xFFFFD8F0  }
0x1a: {  	[spmem:s13], [sflag:s12] =	dma.local [hbm:s5], $0xEA6  }
0x1b: {  	_ =	swait.ge [sflag:s10], $0xEA6  }
0x1c: {  	[sflag:s10] =	ssyncset.done $0x0  }
0x1d: {  	[sflag:s10] =	ssyncadd.s32 $0xFFFFF15A  }
0x1e: {  	[bflag:$0x0] =	sbarrier.arrive $0xFFFF  }
0x1f: {  	[tilespmem:s15], [sflag:$0x1] =	stream.indirect.gather [hbm4b:s4+s14], $0x30, s3, s14, $0xb8;
	[tilespmem:$0xFF50] =	vst v63  }
0x20: {  	_ = 	snop  }
0x21: {  	[tilespmem:s16], [sflag:$0x2] =	stream.indirect.gather [hbm4b:s4+s14], $0x30, s14, s14, $0xb8;
	[tilespmem:$0xFF50] =	vst v63  }
0x22: {  	_ =	swait.ge [sflag:s17], $0xF00  }
0x23: {  	[sflag:s17] =	ssyncset.done $0x0  }
0x24: {  	[sflag:s17] =	ssyncadd.s32 $0xFFFFF100  }
0x25: {  	[spmem:s2] =	stream.indirect.scatter.add.f32 [tilespmem:s15], [sflag:$0x5], $0x30, s11, s14, $0xb8;
	[tilespmem:$0xFF50] =	vst v63  }
0x26: {  	s1 =	simm.s32 $0xA0  }
0x27: {  	[tilespmem:s19], [sflag:$0x3] =	stream.indirect.gather [hbm4b:s4+s14], $0x30, s1, s14, $0xb8;
	[tilespmem:$0xFF50] =	vst v63  }
0x28: {  	_ =	swait.ge [sflag:s20], $0xF00  }
0x29: {  	[sflag:s20] =	ssyncset.done $0x0  }
0x2a: {  	s22 =	simm.s32 $0x2760;
	[sflag:s20] =	ssyncadd.s32 $0xFFFFF100  }
0x2b: {  	[spmem:s2] =	stream.indirect.scatter.add.f32 [tilespmem:s16], [sflag:$0x6], $0x30, s22, s14, $0xb8;
	[tilespmem:$0xFF50] =	vst v63  }
0x2c: {  	s22 =	simm.s32 $0xF0  }
0x2d: {  	[tilespmem:s23], [sflag:$0x4] =	stream.indirect.gather [hbm4b:s4+s14], $0x30, s22, s14, $0xb8;
	[tilespmem:$0xFF50] =	vst v63  }
0x2e: {  	_ =	swait.ge [sflag:s24], $0xF00  }
0x2f: {  	[sflag:s24] =	ssyncset.done $0x0  }
0x30: {  	s22 =	simm.s32 $0x27B0;
	[sflag:s24] =	ssyncadd.s32 $0xFFFFF100  }
0x31: {  	[spmem:s2] =	stream.indirect.scatter.add.f32 [tilespmem:s19], [sflag:$0x7], $0x30, s22, s14, $0xb8;
	[tilespmem:$0xFF50] =	vst v63  }
0x32: {  	_ =	swait.ge [sflag:s25], $0xF00  }
0x33: {  	[sflag:s25] =	ssyncset.done $0x0  }
0x34: {  	s1 =	simm.s32 $0x140;
	[sflag:s25] =	ssyncadd.s32 $0xFFFFF100  }
0x35: {  	[tilespmem:s15], [sflag:$0x1] =	stream.indirect.gather [hbm4b:s4+s14], $0x30, s1, s14, $0xb8;
	[tilespmem:$0xFF50] =	vst v63  }
0x36: {  	_ =	swait.ge [sflag:s26], $0xF00  }
0x37: {  	[sflag:s26] =	ssyncset.done $0x0  }
0x38: {  	s1 =	simm.s32 $0x2800;
	[sflag:s26] =	ssyncadd.s32 $0xFFFFF100  }
0x39: {  	[spmem:s2] =	stream.indirect.scatter.add.f32 [tilespmem:s23], [sflag:$0x8], $0x30, s1, s14, $0xb8;
	[tilespmem:$0xFF50] =	vst v63  }
0x3a: {  	_ =	swait.ge [sflag:s28], $0xF00  }
0x3b: {  	[sflag:s28] =	ssyncset.done $0x0  }
0x3c: {  	s1 =	simm.s32 $0x190;
	[sflag:s28] =	ssyncadd.s32 $0xFFFFF100  }
0x3d: {  	[tilespmem:s16], [sflag:$0x2] =	stream.indirect.gather [hbm4b:s4+s14], $0x30, s1, s14, $0xb8;
	[tilespmem:$0xFF50] =	vst v63  }
0x3e: {  	_ =	swait.ge [sflag:s17], $0xF00  }
0x3f: {  	[sflag:s17] =	ssyncset.done $0x0  }
0x40: {  	s1 =	simm.s32 $0x2850;
	[sflag:s17] =	ssyncadd.s32 $0xFFFFF100  }
0x41: {  	[spmem:s2] =	stream.indirect.scatter.add.f32 [tilespmem:s15], [sflag:$0x5], $0x30, s1, s14, $0xb8;
	[tilespmem:$0xFF50] =	vst v63  }
0x42: {  	_ =	swait.ge [sflag:s29], $0xF00  }
0x43: {  	[sflag:s29] =	ssyncset.done $0x0  }
0x44: {  	s1 =	simm.s32 $0x1E0;
	[sflag:s29] =	ssyncadd.s32 $0xFFFFF100  }
0x45: {  	[tilespmem:s19], [sflag:$0x3] =	stream.indirect.gather [hbm4b:s4+s14], $0x30, s1, s14, $0xb8;
	[tilespmem:$0xFF50] =	vst v63  }
0x46: {  	_ =	swait.ge [sflag:s20], $0xF00  }
0x47: {  	[sflag:s20] =	ssyncset.done $0x0  }
0x48: {  	s1 =	simm.s32 $0x28A0;
	[sflag:s20] =	ssyncadd.s32 $0xFFFFF100  }
0x49: {  	[spmem:s2] =	stream.indirect.scatter.add.f32 [tilespmem:s16], [sflag:$0x6], $0x30, s1, s14, $0xb8;
	[tilespmem:$0xFF50] =	vst v63  }
0x4a: {  	_ =	swait.ge [sflag:s30], $0xF00  }
0x4b: {  	[sflag:s30] =	ssyncset.done $0x0  }
0x4c: {  	s31 =	simm.s32 $0x230;
	s22 =	simm.s32 $0x500;
	[sflag:s30] =	ssyncadd.s32 $0xFFFFF100  }
.LBB2_2:
0x4d: {  	[tilespmem:s23], [sflag:$0x4] =	stream.indirect.gather [hbm4b:s4+s14], $0x30, s31, s14, $0xb8;
	[tilespmem:$0xFF50] =	vst v63  }
0x4e: {  	s31 =	smov.u32 s22  }
0x4f: {  	p0 =	sne.s32 s22, $0x9100;
	s22 =	sadd.s32 $0x500, s22;
	_ =	swait.ge [sflag:s24], $0xF00  }
0x50: {  	s31 =	sshra.s32 s31, $0x2;
	[sflag:s24] =	ssyncset.done $0x0  }
0x51: {  	s1 =	sadd.s32 $0x27B0, s31;
	[sflag:s24] =	ssyncadd.s32 $0xFFFFF100  }
0x52: {  	[spmem:s2] =	stream.indirect.scatter.add.f32 [tilespmem:s19], [sflag:$0x7], $0x30, s1, s14, $0xb8;
	[tilespmem:$0xFF50] =	vst v63  }
0x53: {  	_ =	swait.ge [sflag:s25], $0xF00  }
0x54: {  	[sflag:s25] =	ssyncset.done $0x0  }
0x55: {  	s1 =	sadd.s32 $0x140, s31;
	[sflag:s25] =	ssyncadd.s32 $0xFFFFF100  }
0x56: {  	[tilespmem:s15], [sflag:$0x1] =	stream.indirect.gather [hbm4b:s4+s14], $0x30, s1, s14, $0xb8;
	[tilespmem:$0xFF50] =	vst v63  }
0x57: {  	_ =	swait.ge [sflag:s26], $0xF00  }
0x58: {  	[sflag:s26] =	ssyncset.done $0x0  }
0x59: {  	s1 =	sadd.s32 $0x2800, s31;
	[sflag:s26] =	ssyncadd.s32 $0xFFFFF100  }
0x5a: {  	[spmem:s2] =	stream.indirect.scatter.add.f32 [tilespmem:s23], [sflag:$0x8], $0x30, s1, s14, $0xb8;
	[tilespmem:$0xFF50] =	vst v63  }
0x5b: {  	_ =	swait.ge [sflag:s28], $0xF00  }
0x5c: {  	[sflag:s28] =	ssyncset.done $0x0  }
0x5d: {  	s1 =	sadd.s32 $0x190, s31;
	[sflag:s28] =	ssyncadd.s32 $0xFFFFF100  }
0x5e: {  	[tilespmem:s16], [sflag:$0x2] =	stream.indirect.gather [hbm4b:s4+s14], $0x30, s1, s14, $0xb8;
	[tilespmem:$0xFF50] =	vst v63  }
0x5f: {  	_ =	swait.ge [sflag:s17], $0xF00  }
0x60: {  	[sflag:s17] =	ssyncset.done $0x0  }
0x61: {  	s1 =	sadd.s32 $0x2850, s31;
	[sflag:s17] =	ssyncadd.s32 $0xFFFFF100  }
0x62: {  	[spmem:s2] =	stream.indirect.scatter.add.f32 [tilespmem:s15], [sflag:$0x5], $0x30, s1, s14, $0xb8;
	[tilespmem:$0xFF50] =	vst v63  }
0x63: {  	_ =	swait.ge [sflag:s29], $0xF00  }
0x64: {  	[sflag:s29] =	ssyncset.done $0x0  }
0x65: {  	s1 =	sadd.s32 $0x1E0, s31;
	[sflag:s29] =	ssyncadd.s32 $0xFFFFF100  }
0x66: {  	[tilespmem:s19], [sflag:$0x3] =	stream.indirect.gather [hbm4b:s4+s14], $0x30, s1, s14, $0xb8;
	[tilespmem:$0xFF50] =	vst v63  }
0x67: {  	_ =	swait.ge [sflag:s20], $0xF00  }
0x68: {  	[sflag:s20] =	ssyncset.done $0x0  }
.Ltmp0:
0x69: {  	s1 =	sadd.s32 $0x28A0, s31;
	[sflag:s20] =	ssyncadd.s32 $0xFFFFF100;
	(pc) =	sbr.rel @p0 .LBB2_2-.Ltmp0, $4  }
0x6a: {  	[spmem:s2] =	stream.indirect.scatter.add.f32 [tilespmem:s16], [sflag:$0x6], $0x30, s1, s14, $0xb8;
	[tilespmem:$0xFF50] =	vst v63  }
0x6b: {  	_ =	swait.ge [sflag:s30], $0xF00  }
0x6c: {  	[sflag:s30] =	ssyncset.done $0x0  }
0x6d: {  	s31 =	sadd.s32 $0x230, s31;
	[sflag:s30] =	ssyncadd.s32 $0xFFFFF100  }
0x6e: {  	[tilespmem:s23], [sflag:$0x4] =	stream.indirect.gather [hbm4b:s4+s14], $0x30, s31, s14, $0xb8;
	[tilespmem:$0xFF50] =	vst v63  }
0x6f: {  	_ =	swait.ge [sflag:s24], $0xF00  }
0x70: {  	[sflag:s24] =	ssyncset.done $0x0  }
0x71: {  	s1 =	simm.s32 $0x4D30;
	[sflag:s24] =	ssyncadd.s32 $0xFFFFF100  }
0x72: {  	[spmem:s2] =	stream.indirect.scatter.add.f32 [tilespmem:s19], [sflag:$0x7], $0x30, s1, s14, $0xb8;
	[tilespmem:$0xFF50] =	vst v63  }
0x73: {  	_ =	swait.ge [sflag:s25], $0xF00  }
0x74: {  	[sflag:s25] =	ssyncset.done $0x0  }
0x75: {  	s31 =	simm.s32 $0x26C0;
	[sflag:s25] =	ssyncadd.s32 $0xFFFFF100  }
0x76: {  	[tilespmem:s15], [sflag:$0x1] =	stream.indirect.gather [hbm4b:s4+s14], $0x30, s31, s14, $0xb8;
	[tilespmem:$0xFF50] =	vst v63  }
0x77: {  	_ =	swait.ge [sflag:s26], $0xF00  }
0x78: {  	[sflag:s26] =	ssyncset.done $0x0  }
0x79: {  	[sflag:s26] =	ssyncadd.s32 $0xFFFFF100  }
0x7a: {  	[spmem:s2] =	stream.indirect.scatter.add.f32 [tilespmem:s23], [sflag:$0x8], $0x30, s0, s14, $0xb8;
	[tilespmem:$0xFF50] =	vst v63  }
0x7b: {  	_ =	swait.ge [sflag:s17], $0xF00  }
0x7c: {  	[sflag:s17] =	ssyncset.done $0x0  }
0x7d: {  	[sflag:s17] =	ssyncadd.s32 $0xFFFFF100  }
0x7e: {  	[spmem:s2] =	stream.indirect.scatter.add.f32 [tilespmem:s15], [sflag:$0x5], $0x30, s18, s14, $0xb8;
	[tilespmem:$0xFF50] =	vst v63  }
0x7f: {  	_ =	swait.ge [sflag:s28], $0xF00  }
0x80: {  	[sflag:s28] =	ssyncset.done $0x0  }
0x81: {  	[sflag:s28] =	ssyncadd.s32 $0xFFFFF100  }
0x82: {  	_ =	swait.ge [sflag:s29], $0xF00  }
0x83: {  	[sflag:s29] =	ssyncset.done $0x0  }
0x84: {  	[sflag:s29] =	ssyncadd.s32 $0xFFFFF100  }
0x85: {  	_ =	swait.ge [sflag:s30], $0xF00  }
0x86: {  	[sflag:s30] =	ssyncset.done $0x0  }
0x87: {  	[sflag:s30] =	ssyncadd.s32 $0xFFFFF100  }
0x88: {  	_ =	swait.ge [sflag:s25], $0xF00  }
0x89: {  	s21 =	sadd.s32 $0x1, s21;
	[sflag:s25] =	ssyncset.done $0x0  }
0x8a: {  	p0 =	sne.s32 s21, s9;
	[sflag:s25] =	ssyncadd.s32 $0xFFFFF100  }
.Ltmp1:
0x8b: {  	[bflag:$0x0] =	sbarrier.arrive $0xFFFF;
	(pc) =	sbr.rel @p0 .LBB2_1-.Ltmp1, $4  }
0x8c: {  	[hbm:s8], [sflag:s12] =	dma.local [spmem:s13], $0xEA6  }
0x8d: {  	_ =	swait.ge [sflag:s10], $0xEA6  }
0x8e: {  	[sflag:s10] =	ssyncset.done $0x0  }
0x8f: {  	[sflag:s10] =	ssyncadd.s32 $0xFFFFF15A  }
0x90: {  	_ =	sfence.sel $0x180000  }
0x91: {  	[bflag:$0x0] =	sbarrier.arrive $0xFFFF  }
0x92: {  	_ =	strace $0x9000004A  }
0x93: {  	s0 =	stileid.u32;
	[bflag:$0x2] =	sbarrier.arrive $0xFFFF  }
0x94: {  	p0 =	sne.s32 s0, $0x0;
	s0 =	rddreg [dreg:$0x3]  }
0x95: {  	s0 =	sadd.s32 @!p0 $0x100000, s0  }
0x96: {  	[sflag:s0] =	ssyncadd.tile.s32 @!p0 $0x1;
	_ =	shalt  }
.Lfunc_end2:
_tile_overlayer_lowered:
.L_overlay_start_2:
0x97: {  	(tag) =	ssettag $0x2  }
0x98: {  	s0 =	rddreg [dreg:$0x0];
	s2 =	stileid.u32  }
0x99: {  	s1 =	rddreg [dreg:$0x1];
	p0 =	sne.s32 s2, $0x0  }
0x9a: {  	s3 =	rddreg [dreg:$0x2];
	[bflag:$0x3] =	sbarrier.arrive $0xFFFF;
	s2 =	simm.s32 @!p0 $0x1C09  }
0x9b: {  	[timem:s3], [sflag:s2] =	dma.local @!p0 [hbm:s0], s1  }
0x9c: {  	s0 =	simm.s32 @!p0 $0x9  }
0x9d: {  	_ =	swait.ge @!p0 [sflag:s0], s1  }
0x9e: {  	s1 =	ssub.s32 @!p0 $0x0, s1;
	[sflag:s0] =	ssyncset.done @!p0 $0x0  }
0x9f: {  	[sflag:s0] =	ssyncadd.s32 @!p0 s1  }
0xa0: {  	[bflag:$0x3] =	sbarrier.arrive $0xFFFF  }
0xa1: {  	_ =	shalt  }

</sc_bundles>
